<compile_context>
chip_gen: v7x
topology: tpu7x:2x2x1
jax: 0.10.2.dev20260603
libtpu: 0.0.44.dev20260713+nightly
codegen_flags: <defaults>
</compile_context>

<pallas_src>
import functools

import jax
import jax.numpy as jnp
from jax import lax
from jax.experimental import pallas as pl
from jax.experimental.pallas import tpu as pltpu
from jax.experimental.pallas import tpu_sc as plsc

_SC_CORES = 2
_SC_SUBCORES = 16
_NW = _SC_CORES * _SC_SUBCORES
_LANES = 16

_POSE_BLK = 256


def _tc_body(p_pad, pose_ref, rg_ref, out_ref):
    x = pose_ref[:, 0:1]
    y = pose_ref[:, 1:2]
    l = pose_ref[:, 2:3]
    w = pose_ref[:, 3:4]
    yaw = pose_ref[:, 4:5]
    c = jnp.cos(yaw)
    s = jnp.sin(yaw)
    lc = l / 2 * c
    ls = l / 2 * s
    wc = w / 2 * c
    ws = w / 2 * s
    dxs = (lc + ws, lc - ws, -lc - ws, -lc + ws)
    dys = (ls - wc, ls + wc, -ls + wc, -ls - wc)
    rgx = rg_ref[0:1, :]
    rgy = rg_ref[1:2, :]
    blk = x.shape[0]
    iota_f = lax.broadcasted_iota(jnp.int32, (blk, p_pad), 1).astype(jnp.float32)
    big = jnp.float32(1e9)
    qxs, qys, dists, idxs = [], [], [], []
    for k in range(4):
        qx = dxs[k] + x
        qy = dys[k] + y
        d2 = (qx - rgx) ** 2 + (qy - rgy) ** 2
        md = jnp.min(d2, axis=1, keepdims=True)
        sel = jnp.where(d2 == md, iota_f, big)
        ix = jnp.min(sel, axis=1, keepdims=True)
        qxs.append(qx)
        qys.append(qy)
        dists.append(jnp.sqrt(md))
        idxs.append(ix)
    out_ref[...] = jnp.concatenate(qxs + qys + dists + idxs, axis=1)


def _run_tc(pose, rg, npose, p_pad):
    grid = npose // _POSE_BLK
    pose_spec = pl.BlockSpec((_POSE_BLK, 8), lambda i: (i, 0))
    rg_spec = pl.BlockSpec((2, p_pad), lambda i: (0, 0))
    out_spec = pl.BlockSpec((_POSE_BLK, 16), lambda i: (i, 0))
    return pl.pallas_call(
        functools.partial(_tc_body, p_pad),
        grid=(grid,),
        in_specs=[pose_spec, rg_spec],
        out_specs=out_spec,
        out_shape=jax.ShapeDtypeStruct((npose, 16), jnp.float32),
    )(pose, rg)


@functools.cache
def _make_sc_kernel(npose, n_points):
    poses_per_tile = npose // _NW
    qs_per_tile = poses_per_tile * 4
    n_chunks = qs_per_tile // _LANES
    mesh = plsc.VectorSubcoreMesh(core_axis_name="c", subcore_axis_name="s")

    @functools.partial(
        pl.kernel,
        mesh=mesh,
        out_type=jax.ShapeDtypeStruct((npose,), jnp.float32),
        compiler_params=pltpu.CompilerParams(needs_layout_passes=False),
        scratch_types=[
            pltpu.VMEM((16 * poses_per_tile,), jnp.float32),
            pltpu.VMEM((4 * n_points,), jnp.float32),
            pltpu.VMEM((n_points,), jnp.int32),
            pltpu.VMEM((qs_per_tile,), jnp.float32),
            pltpu.VMEM((poses_per_tile,), jnp.float32),
            pltpu.SemaphoreType.DMA,
        ],
    )
    def sc_kernel(q_hbm, tab_hbm, ids_hbm,
                  out_hbm, q_v, tab_v, ids_v, signed_v, out_v, sem):
        wid = lax.axis_index("s") * _SC_CORES + lax.axis_index("c")
        copies = [
            pltpu.async_copy(
                q_hbm.at[pl.ds(wid * 16 * poses_per_tile,
                               16 * poses_per_tile)], q_v, sem),
            pltpu.async_copy(tab_hbm, tab_v, sem),
            pltpu.async_copy(ids_hbm, ids_v, sem),
        ]
        for cp in copies:
            cp.wait()
        lane0 = lax.iota(jnp.int32, 16)
        fbase = 16 * (lane0 >> 2) + (lane0 & 3)
        for ch in range(n_chunks):
            sl = pl.ds(ch * _LANES, _LANES)
            fb = fbase + 64 * ch
            qx = plsc.load_gather(q_v, [fb])
            qy = plsc.load_gather(q_v, [fb + 4])
            dist = plsc.load_gather(q_v, [fb + 8])
            ix = plsc.load_gather(q_v, [fb + 12]).astype(jnp.int32)
            pix = jnp.maximum(ix - 1, 0)
            nx = plsc.load_gather(tab_v, [ix])
            ny = plsc.load_gather(tab_v, [ix + n_points])
            dvx = plsc.load_gather(tab_v, [ix + 2 * n_points])
            dvy = plsc.load_gather(tab_v, [ix + 3 * n_points])
            pvx = plsc.load_gather(tab_v, [pix + 2 * n_points])
            pvy = plsc.load_gather(tab_v, [pix + 3 * n_points])
            idn = plsc.load_gather(ids_v, [ix])
            idp = plsc.load_gather(ids_v, [pix])
            ptx = qx - nx
            pty = qy - ny
            cr = ptx * dvy - pty * dvx
            crp = ptx * pvy - pty * pvx
            chosen = jnp.where((idn == idp) & (crp < cr), crp, cr)
            sgn = jnp.sign(chosen)
            sgn = jnp.where(sgn == 0.0, 1.0, sgn)
            signed_v[sl] = sgn * dist
        lane = lax.iota(jnp.int32, 16)
        for d in range(poses_per_tile // _LANES):
            base_i = d * 4 * _LANES + 4 * lane
            m = plsc.load_gather(signed_v, [base_i])
            for k in (1, 2, 3):
                m = jnp.maximum(m, plsc.load_gather(signed_v, [base_i + k]))
            out_v[pl.ds(d * _LANES, _LANES)] = m
        pltpu.sync_copy(
            out_v, out_hbm.at[pl.ds(wid * poses_per_tile, poses_per_tile)])

    return sc_kernel


def kernel(traj_pred, agents, agents_mask, rg_xy, rg_dir_xy, rg_ids):
    weight = 0.1
    B, A, T, _ = traj_pred.shape
    P = rg_xy.shape[0]
    n = B * A * T
    npose_pad = -(-n // 1024) * 1024
    p_pad = -(-P // 128) * 128

    x = traj_pred[..., 0].reshape(-1)
    y = traj_pred[..., 1].reshape(-1)
    yaw = traj_pred[..., 2].reshape(-1)
    l = jnp.broadcast_to(agents[:, :, -1, 5][..., None], (B, A, T)).reshape(-1)
    w = jnp.broadcast_to(agents[:, :, -1, 6][..., None], (B, A, T)).reshape(-1)
    zero = jnp.zeros_like(x)
    pose = jnp.stack([x, y, l, w, yaw, zero, zero, zero], axis=-1)
    pose = jnp.pad(pose, ((0, npose_pad - n), (0, 0)))

    rg = jnp.pad(rg_xy.T, ((0, 0), (0, p_pad - P)), constant_values=1e30)

    tab = jnp.concatenate(
        [rg_xy[:, 0], rg_xy[:, 1], rg_dir_xy[:, 0], rg_dir_xy[:, 1]])
    ids = rg_ids.astype(jnp.int32)

    packed = _run_tc(pose, rg, npose_pad, p_pad)
    sc = _make_sc_kernel(npose_pad, P)
    pose_signed = sc(packed.reshape(-1), tab, ids)

    pm = pose_signed[:n].reshape(B, A, T)
    pm = pm * (pm[:, :, 0:1] < 0)
    cost = jax.nn.relu(pm)
    cost = cost * (~agents_mask)[:, :, None] * weight
    return -cost

# --- scband reference (transcript-rebuilt; emitter-appended) ---
"""Pipeline reference for scband-onroad-reward-51350628991065 (READ-ONLY COPY).

The authoritative reference and input builder live on the scoring server;
editing this copy changes nothing except your own understanding.
"""

import jax, jax.numpy as jnp
import numpy as np

B, A, T, D = 2, 24, 20, 4
TH, F = 11, 8
P = 8000


def cross_2d(a, b):
    return a[..., 0] * b[..., 1] - a[..., 1] * b[..., 0]


def corners_from_bboxes(bbox):
    c = jnp.cos(bbox[..., 4])
    s = jnp.sin(bbox[..., 4])
    lc = bbox[..., 2] / 2 * c
    ls = bbox[..., 2] / 2 * s
    wc = bbox[..., 3] / 2 * c
    ws = bbox[..., 3] / 2 * s
    dx = jnp.stack([lc + ws, lc - ws, -lc - ws, -lc + ws], axis=-1)
    dy = jnp.stack([ls - wc, ls + wc, -ls + wc, -ls - wc], axis=-1)
    points = jnp.stack([dx, dy], axis=-1)
    points = points + bbox[..., None, :2]
    return points


def signed_distance_to_nearest_edge(query_points, rg_xy, rg_dir_xy, rg_ids):
    # query_points: [Q, 2]; rg_*: [P, ...] (already filtered to valid road-edge points)
    differences = rg_xy[None, :, :] - query_points[:, None, :]
    square_distances = jnp.sum(differences ** 2, axis=-1)
    nearest_indices = jnp.argmin(square_distances, axis=-1)
    prior_indices = jnp.clip(nearest_indices - 1, 0)
    nearest_xys = rg_xy[nearest_indices, :]
    nearest_vector_xys = rg_dir_xy[nearest_indices, :]
    prior_vector_xys = rg_dir_xy[prior_indices, :]
    points_to_edge = query_points - nearest_xys
    cross_product = cross_2d(points_to_edge, nearest_vector_xys)
    cross_product_prior = cross_2d(points_to_edge, prior_vector_xys)
    prior_point_in_same_curve = rg_ids[nearest_indices] == rg_ids[prior_indices]
    offroad_sign = jnp.sign(jnp.where(jnp.logical_and(prior_point_in_same_curve, cross_product_prior < cross_product), cross_product_prior, cross_product))
    offroad_sign = jnp.where(offroad_sign == 0, jnp.ones_like(offroad_sign), offroad_sign)
    dist = jnp.linalg.norm(nearest_xys - query_points, axis=-1)
    return dist, offroad_sign


def distance_offroad(pose_5dof, rg_xy, rg_dir_xy, rg_ids):
    bbox_corners = corners_from_bboxes(pose_5dof)
    num_corners, dim = bbox_corners.shape[-2:]
    pre_dims = bbox_corners.shape[:-2]
    q = bbox_corners.reshape(-1, dim)
    distances, sign = signed_distance_to_nearest_edge(q, rg_xy, rg_dir_xy, rg_ids)
    distances = distances.reshape(*pre_dims, num_corners)
    signs = sign.reshape(*pre_dims, num_corners)
    signed_distance = distances * signs
    max_distances = jnp.max(signed_distance, axis=-1)
    return max_distances


def setup_inputs(seed: int = 0) -> dict:
    key = jax.random.key(seed)
    k1, k2, k3, k4, k5, k6 = jax.random.split(key, 6)
    traj_pred = jax.random.normal(k1, (B, A, T, D), jnp.float32) * 20.0
    agents = jax.random.uniform(k2, (B, A, TH, F), jnp.float32)
    agents = agents.at[..., 5].set(agents[..., 5] * 4.0 + 1.0)  # plausible lengths
    agents = agents.at[..., 6].set(agents[..., 6] * 1.5 + 0.5)  # plausible widths
    agents_mask = jax.random.randint(k3, (B, A), 0, 2).astype(bool)
    rg_xy = jax.random.normal(k4, (P, 2), jnp.float32) * 50.0
    rg_dir_xy = jax.random.normal(k5, (P, 2), jnp.float32)
    rg_dir_xy = rg_dir_xy / (jnp.linalg.norm(rg_dir_xy, axis=-1, keepdims=True) + 1e-8)
    rg_ids = jnp.sort(jax.random.randint(k6, (P,), 0, 400)).astype(jnp.int32)
    return {"traj_pred": traj_pred, "agents": agents, "agents_mask": agents_mask,
            "rg_xy": rg_xy, "rg_dir_xy": rg_dir_xy, "rg_ids": rg_ids}


def reference(traj_pred, agents, agents_mask, rg_xy, rg_dir_xy, rg_ids):
    weight = 0.1
    T_ = traj_pred.shape[-2]
    traj_pred_xy = traj_pred[..., :2]
    traj_pred_yaw = traj_pred[..., 2:3]
    length = jnp.repeat(agents[..., -1, 5:6], T_, axis=-1)[..., None]
    width = jnp.repeat(agents[..., -1, 6:7], T_, axis=-1)[..., None]
    traj_5dof = jnp.concatenate([traj_pred_xy, length, width, traj_pred_yaw], axis=-1)
    mask = jnp.repeat((~agents_mask)[..., None], T_, axis=-1)
    signed_distance = distance_offroad(traj_5dof, rg_xy, rg_dir_xy, rg_ids)
    signed_distance = signed_distance * (signed_distance[:, :, 0:1] < 0)
    cost = jax.nn.relu(signed_distance)
    cost = cost * mask * weight
    return -cost

if __name__ == "__main__":
    import jax
    _d = setup_inputs()
    print(jax.jit(kernel)(*tuple(_d.values())))

</pallas_src>

<mosaic_0001>
#map = affine_map<(d0, d1) -> (0)>
module attributes {stable_mosaic.version = 14 : i64} {
  func.func @sc_kernel(%arg0: i32, %arg1: i32, %arg2: memref<16384xf32, #tpu.memory_space<hbm>>, %arg3: memref<32000xf32, #tpu.memory_space<hbm>>, %arg4: memref<8000xi32, #tpu.memory_space<hbm>>, %arg5: memref<1024xf32, #tpu.memory_space<hbm>>, %arg6: memref<512xf32, #tpu.memory_space<vmem>>, %arg7: memref<32000xf32, #tpu.memory_space<vmem>>, %arg8: memref<8000xi32, #tpu.memory_space<vmem>>, %arg9: memref<128xf32, #tpu.memory_space<vmem>>, %arg10: memref<32xf32, #tpu.memory_space<vmem>>, %arg11: memref<!tpu.dma_semaphore, #tpu.memory_space<semaphore_mem>>) attributes {dimension_semantics = [#tpu.dimension_semantics<core_parallel>, #tpu.dimension_semantics<subcore_parallel>], iteration_bounds = array<i64: 2, 16>, scalar_prefetch = 0 : i64, scratch_operands = 6 : i64, tpu.core_type = #tpu.core_type<sc_vector_subcore>, window_params = [{transform_indices = #map}, {transform_indices = #map}, {transform_indices = #map}, {transform_indices = #map}]} {
    %mul3A = arith.constant 2 : i32
    %mul3A_0 = arith.muli %arg1, %mul3A : i32
    %add3A = arith.addi %mul3A_0, %arg0 : i32
    %mul3A_1 = arith.constant 16 : i32
    %mul3A_2 = arith.muli %add3A, %mul3A_1 : i32
    %mul3A_3 = arith.constant 32 : i32
    %mul3A_4 = arith.muli %mul3A_2, %mul3A_3 : i32
    %dma_start3A = tpu.memref_slice %arg2[%mul3A_4] : memref<16384xf32, #tpu.memory_space<hbm>> -> memref<512xf32, #tpu.memory_space<hbm>>
    %dma_start3A_5 = tpu.memref_slice %arg2[%mul3A_4] : memref<16384xf32, #tpu.memory_space<hbm>> -> memref<512xf32, #tpu.memory_space<hbm>>
    tpu.enqueue_dma source(%dma_start3A_5 : memref<512xf32, #tpu.memory_space<hbm>>) target(%arg6 : memref<512xf32, #tpu.memory_space<vmem>>) target_semaphore(%arg11 : memref<!tpu.dma_semaphore, #tpu.memory_space<semaphore_mem>>)
    tpu.enqueue_dma source(%arg3 : memref<32000xf32, #tpu.memory_space<hbm>>) target(%arg7 : memref<32000xf32, #tpu.memory_space<vmem>>) target_semaphore(%arg11 : memref<!tpu.dma_semaphore, #tpu.memory_space<semaphore_mem>>)
    tpu.enqueue_dma source(%arg4 : memref<8000xi32, #tpu.memory_space<hbm>>) target(%arg8 : memref<8000xi32, #tpu.memory_space<vmem>>) target_semaphore(%arg11 : memref<!tpu.dma_semaphore, #tpu.memory_space<semaphore_mem>>)
    %dma_wait3A = tpu.memref_slice %arg2[%mul3A_4] : memref<16384xf32, #tpu.memory_space<hbm>> -> memref<512xf32, #tpu.memory_space<hbm>>
    %dma_wait3A_6 = tpu.memref_slice %arg2[%mul3A_4] : memref<16384xf32, #tpu.memory_space<hbm>> -> memref<512xf32, #tpu.memory_space<hbm>>
    tpu.wait_dma2 semaphore(%arg11 : memref<!tpu.dma_semaphore, #tpu.memory_space<semaphore_mem>>) src(%dma_wait3A_6 : memref<512xf32, #tpu.memory_space<hbm>>) dst(%arg6 : memref<512xf32, #tpu.memory_space<vmem>>)
    tpu.wait_dma2 semaphore(%arg11 : memref<!tpu.dma_semaphore, #tpu.memory_space<semaphore_mem>>) src(%arg3 : memref<32000xf32, #tpu.memory_space<hbm>>) dst(%arg7 : memref<32000xf32, #tpu.memory_space<vmem>>)
    tpu.wait_dma2 semaphore(%arg11 : memref<!tpu.dma_semaphore, #tpu.memory_space<semaphore_mem>>) src(%arg4 : memref<8000xi32, #tpu.memory_space<hbm>>) dst(%arg8 : memref<8000xi32, #tpu.memory_space<vmem>>)
    %iota3A = tpu.iota {dimensions = array<i32: 0>} : vector<16xi32>
    %shift_right_arithmetic3A = arith.constant 2 : i32
    %shift_right_arithmetic3A_7 = vector.broadcast %shift_right_arithmetic3A : i32 to vector<16xi32>
    %shift_right_arithmetic3A_8 = arith.shrsi %iota3A, %shift_right_arithmetic3A_7 : vector<16xi32>
    %mul3A_9 = arith.constant 16 : i32
    %mul3A_10 = vector.broadcast %mul3A_9 : i32 to vector<16xi32>
    %mul3A_11 = arith.muli %mul3A_10, %shift_right_arithmetic3A_8 : vector<16xi32>
    %and3A = arith.constant 3 : i32
    %and3A_12 = vector.broadcast %and3A : i32 to vector<16xi32>
    %and3A_13 = arith.andi %iota3A, %and3A_12 : vector<16xi32>
    %add3A_14 = arith.addi %mul3A_11, %and3A_13 : vector<16xi32>
    %add3A_15 = arith.constant 0 : i32
    %add3A_16 = vector.broadcast %add3A_15 : i32 to vector<16xi32>
    %add3A_17 = arith.addi %add3A_14, %add3A_16 : vector<16xi32>
    %gather3A = tpu.vector_load_idx %arg6[%add3A_17] : memref<512xf32, #tpu.memory_space<vmem>>[vector<16xi32>], vector<16xf32>,
    %add3A_18 = arith.constant 4 : i32
    %add3A_19 = vector.broadcast %add3A_18 : i32 to vector<16xi32>
    %add3A_20 = arith.addi %add3A_17, %add3A_19 : vector<16xi32>
    %gather3A_21 = tpu.vector_load_idx %arg6[%add3A_20] : memref<512xf32, #tpu.memory_space<vmem>>[vector<16xi32>], vector<16xf32>,
    %add3A_22 = arith.constant 8 : i32
    %add3A_23 = vector.broadcast %add3A_22 : i32 to vector<16xi32>
    %add3A_24 = arith.addi %add3A_17, %add3A_23 : vector<16xi32>
    %gather3A_25 = tpu.vector_load_idx %arg6[%add3A_24] : memref<512xf32, #tpu.memory_space<vmem>>[vector<16xi32>], vector<16xf32>,
    %add3A_26 = arith.constant 12 : i32
    %add3A_27 = vector.broadcast %add3A_26 : i32 to vector<16xi32>
    %add3A_28 = arith.addi %add3A_17, %add3A_27 : vector<16xi32>
    %gather3A_29 = tpu.vector_load_idx %arg6[%add3A_28] : memref<512xf32, #tpu.memory_space<vmem>>[vector<16xi32>], vector<16xf32>,
    %convert_element_type3A = arith.fptosi %gather3A_29 : vector<16xf32> to vector<16xi32>
    %sub3A = arith.constant 1 : i32
    %sub3A_30 = vector.broadcast %sub3A : i32 to vector<16xi32>
    %sub3A_31 = arith.subi %convert_element_type3A, %sub3A_30 : vector<16xi32>
    %max3A = arith.constant 0 : i32
    %max3A_32 = vector.broadcast %max3A : i32 to vector<16xi32>
    %max3A_33 = arith.maxsi %sub3A_31, %max3A_32 : vector<16xi32>
    %gather3A_34 = tpu.vector_load_idx %arg7[%convert_element_type3A] : memref<32000xf32, #tpu.memory_space<vmem>>[vector<16xi32>], vector<16xf32>,
    %add3A_35 = arith.constant 8000 : i32
    %add3A_36 = vector.broadcast %add3A_35 : i32 to vector<16xi32>
    %add3A_37 = arith.addi %convert_element_type3A, %add3A_36 : vector<16xi32>
    %gather3A_38 = tpu.vector_load_idx %arg7[%add3A_37] : memref<32000xf32, #tpu.memory_space<vmem>>[vector<16xi32>], vector<16xf32>,
    %add3A_39 = arith.constant 16000 : i32
    %add3A_40 = vector.broadcast %add3A_39 : i32 to vector<16xi32>
    %add3A_41 = arith.addi %convert_element_type3A, %add3A_40 : vector<16xi32>
    %gather3A_42 = tpu.vector_load_idx %arg7[%add3A_41] : memref<32000xf32, #tpu.memory_space<vmem>>[vector<16xi32>], vector<16xf32>,
    %add3A_43 = arith.constant 24000 : i32
    %add3A_44 = vector.broadcast %add3A_43 : i32 to vector<16xi32>
    %add3A_45 = arith.addi %convert_element_type3A, %add3A_44 : vector<16xi32>
    %gather3A_46 = tpu.vector_load_idx %arg7[%add3A_45] : memref<32000xf32, #tpu.memory_space<vmem>>[vector<16xi32>], vector<16xf32>,
    %add3A_47 = arith.constant 16000 : i32
    %add3A_48 = vector.broadcast %add3A_47 : i32 to vector<16xi32>
    %add3A_49 = arith.addi %max3A_33, %add3A_48 : vector<16xi32>
    %gather3A_50 = tpu.vector_load_idx %arg7[%add3A_49] : memref<32000xf32, #tpu.memory_space<vmem>>[vector<16xi32>], vector<16xf32>,
    %add3A_51 = arith.constant 24000 : i32
    %add3A_52 = vector.broadcast %add3A_51 : i32 to vector<16xi32>
    %add3A_53 = arith.addi %max3A_33, %add3A_52 : vector<16xi32>
    %gather3A_54 = tpu.vector_load_idx %arg7[%add3A_53] : memref<32000xf32, #tpu.memory_space<vmem>>[vector<16xi32>], vector<16xf32>,
    %gather3A_55 = tpu.vector_load_idx %arg8[%convert_element_type3A] : memref<8000xi32, #tpu.memory_space<vmem>>[vector<16xi32>], vector<16xi32>,
    %gather3A_56 = tpu.vector_load_idx %arg8[%max3A_33] : memref<8000xi32, #tpu.memory_space<vmem>>[vector<16xi32>], vector<16xi32>,
    %sub3A_57 = arith.subf %gather3A, %gather3A_34 : vector<16xf32>
    %sub3A_58 = arith.subf %gather3A_21, %gather3A_38 : vector<16xf32>
    %mul3A_59 = arith.mulf %sub3A_57, %gather3A_46 : vector<16xf32>
    %mul3A_60 = arith.mulf %sub3A_58, %gather3A_42 : vector<16xf32>
    %sub3A_61 = arith.subf %mul3A_59, %mul3A_60 : vector<16xf32>
    %mul3A_62 = arith.mulf %sub3A_57, %gather3A_54 : vector<16xf32>
    %mul3A_63 = arith.mulf %sub3A_58, %gather3A_50 : vector<16xf32>
    %sub3A_64 = arith.subf %mul3A_62, %mul3A_63 : vector<16xf32>
    %eq3A = arith.cmpi eq, %gather3A_55, %gather3A_56 : vector<16xi32>
    %lt3A = arith.cmpf olt, %sub3A_64, %sub3A_61 : vector<16xf32>
    %and3A_65 = arith.andi %eq3A, %lt3A : vector<16xi1>
    %select_n3A = arith.select %and3A_65, %sub3A_64, %sub3A_61 : vector<16xi1>, vector<16xf32>
    %sign3A = tpu.bitcast %select_n3A : vector<16xf32> -> vector<16xi32>
    %sign3A_66 = arith.constant -2147483648 : i32
    %sign3A_67 = vector.broadcast %sign3A_66 : i32 to vector<16xi32>
    %sign3A_68 = arith.andi %sign3A, %sign3A_67 : vector<16xi32>
    %sign3A_69 = arith.constant 1065353216 : i32
    %sign3A_70 = vector.broadcast %sign3A_69 : i32 to vector<16xi32>
    %sign3A_71 = arith.ori %sign3A_70, %sign3A_68 : vector<16xi32>
    %sign3A_72 = tpu.bitcast %sign3A_71 : vector<16xi32> -> vector<16xf32>
    %sign3A_73 = math.absf %select_n3A : vector<16xf32>
    %sign3A_74 = arith.constant 0.000000e+00 : f32
    %sign3A_75 = vector.broadcast %sign3A_74 : f32 to vector<16xf32>
    %sign3A_76 = arith.cmpf ogt, %sign3A_73, %sign3A_75 : vector<16xf32>
    %sign3A_77 = arith.select %sign3A_76, %sign3A_72, %select_n3A : vector<16xi1>, vector<16xf32>
    %eq3A_78 = arith.constant 0.000000e+00 : f32
    %eq3A_79 = vector.broadcast %eq3A_78 : f32 to vector<16xf32>
    %eq3A_80 = arith.cmpf oeq, %sign3A_77, %eq3A_79 : vector<16xf32>
    %jit3A = arith.constant 1.000000e+00 : f32
    %broadcast_in_dim3A = vector.broadcast %jit3A : f32 to vector<16xf32>
    %select_n3A_81 = arith.select %eq3A_80, %broadcast_in_dim3A, %sign3A_77 : vector<16xi1>, vector<16xf32>
    %mul3A_82 = arith.mulf %select_n3A_81, %gather3A_25 : vector<16xf32>
    %swap3A = arith.constant 0 : index
    %swap3A_83 = tpu.vector_load %arg9[%swap3A] {strides = array<i32>} : memref<128xf32, #tpu.memory_space<vmem>>, vector<16xf32>,
    tpu.vector_store %arg9[%swap3A], %mul3A_82 {strides = array<i32>} : memref<128xf32, #tpu.memory_space<vmem>>, vector<16xf32>,
    %add3A_84 = arith.constant 64 : i32
    %add3A_85 = vector.broadcast %add3A_84 : i32 to vector<16xi32>
    %add3A_86 = arith.addi %add3A_14, %add3A_85 : vector<16xi32>
    %gather3A_87 = tpu.vector_load_idx %arg6[%add3A_86] : memref<512xf32, #tpu.memory_space<vmem>>[vector<16xi32>], vector<16xf32>,
    %add3A_88 = arith.constant 4 : i32
    %add3A_89 = vector.broadcast %add3A_88 : i32 to vector<16xi32>
    %add3A_90 = arith.addi %add3A_86, %add3A_89 : vector<16xi32>
    %gather3A_91 = tpu.vector_load_idx %arg6[%add3A_90] : memref<512xf32, #tpu.memory_space<vmem>>[vector<16xi32>], vector<16xf32>,
    %add3A_92 = arith.constant 8 : i32
    %add3A_93 = vector.broadcast %add3A_92 : i32 to vector<16xi32>
    %add3A_94 = arith.addi %add3A_86, %add3A_93 : vector<16xi32>
    %gather3A_95 = tpu.vector_load_idx %arg6[%add3A_94] : memref<512xf32, #tpu.memory_space<vmem>>[vector<16xi32>], vector<16xf32>,
    %add3A_96 = arith.constant 12 : i32
    %add3A_97 = vector.broadcast %add3A_96 : i32 to vector<16xi32>
    %add3A_98 = arith.addi %add3A_86, %add3A_97 : vector<16xi32>
    %gather3A_99 = tpu.vector_load_idx %arg6[%add3A_98] : memref<512xf32, #tpu.memory_space<vmem>>[vector<16xi32>], vector<16xf32>,
    %convert_element_type3A_100 = arith.fptosi %gather3A_99 : vector<16xf32> to vector<16xi32>
    %sub3A_101 = arith.constant 1 : i32
    %sub3A_102 = vector.broadcast %sub3A_101 : i32 to vector<16xi32>
    %sub3A_103 = arith.subi %convert_element_type3A_100, %sub3A_102 : vector<16xi32>
    %max3A_104 = arith.constant 0 : i32
    %max3A_105 = vector.broadcast %max3A_104 : i32 to vector<16xi32>
    %max3A_106 = arith.maxsi %sub3A_103, %max3A_105 : vector<16xi32>
    %gather3A_107 = tpu.vector_load_idx %arg7[%convert_element_type3A_100] : memref<32000xf32, #tpu.memory_space<vmem>>[vector<16xi32>], vector<16xf32>,
    %add3A_108 = arith.constant 8000 : i32
    %add3A_109 = vector.broadcast %add3A_108 : i32 to vector<16xi32>
    %add3A_110 = arith.addi %convert_element_type3A_100, %add3A_109 : vector<16xi32>
    %gather3A_111 = tpu.vector_load_idx %arg7[%add3A_110] : memref<32000xf32, #tpu.memory_space<vmem>>[vector<16xi32>], vector<16xf32>,
    %add3A_112 = arith.constant 16000 : i32
    %add3A_113 = vector.broadcast %add3A_112 : i32 to vector<16xi32>
    %add3A_114 = arith.addi %convert_element_type3A_100, %add3A_113 : vector<16xi32>
    %gather3A_115 = tpu.vector_load_idx %arg7[%add3A_114] : memref<32000xf32, #tpu.memory_space<vmem>>[vector<16xi32>], vector<16xf32>,
    %add3A_116 = arith.constant 24000 : i32
    %add3A_117 = vector.broadcast %add3A_116 : i32 to vector<16xi32>
    %add3A_118 = arith.addi %convert_element_type3A_100, %add3A_117 : vector<16xi32>
    %gather3A_119 = tpu.vector_load_idx %arg7[%add3A_118] : memref<32000xf32, #tpu.memory_space<vmem>>[vector<16xi32>], vector<16xf32>,
    %add3A_120 = arith.constant 16000 : i32
    %add3A_121 = vector.broadcast %add3A_120 : i32 to vector<16xi32>
    %add3A_122 = arith.addi %max3A_106, %add3A_121 : vector<16xi32>
    %gather3A_123 = tpu.vector_load_idx %arg7[%add3A_122] : memref<32000xf32, #tpu.memory_space<vmem>>[vector<16xi32>], vector<16xf32>,
    %add3A_124 = arith.constant 24000 : i32
    %add3A_125 = vector.broadcast %add3A_124 : i32 to vector<16xi32>
    %add3A_126 = arith.addi %max3A_106, %add3A_125 : vector<16xi32>
    %gather3A_127 = tpu.vector_load_idx %arg7[%add3A_126] : memref<32000xf32, #tpu.memory_space<vmem>>[vector<16xi32>], vector<16xf32>,
    %gather3A_128 = tpu.vector_load_idx %arg8[%convert_element_type3A_100] : memref<8000xi32, #tpu.memory_space<vmem>>[vector<16xi32>], vector<16xi32>,
    %gather3A_129 = tpu.vector_load_idx %arg8[%max3A_106] : memref<8000xi32, #tpu.memory_space<vmem>>[vector<16xi32>], vector<16xi32>,
    %sub3A_130 = arith.subf %gather3A_87, %gather3A_107 : vector<16xf32>
    %sub3A_131 = arith.subf %gather3A_91, %gather3A_111 : vector<16xf32>
    %mul3A_132 = arith.mulf %sub3A_130, %gather3A_119 : vector<16xf32>
    %mul3A_133 = arith.mulf %sub3A_131, %gather3A_115 : vector<16xf32>
    %sub3A_134 = arith.subf %mul3A_132, %mul3A_133 : vector<16xf32>
    %mul3A_135 = arith.mulf %sub3A_130, %gather3A_127 : vector<16xf32>
    %mul3A_136 = arith.mulf %sub3A_131, %gather3A_123 : vector<16xf32>
    %sub3A_137 = arith.subf %mul3A_135, %mul3A_136 : vector<16xf32>
    %eq3A_138 = arith.cmpi eq, %gather3A_128, %gather3A_129 : vector<16xi32>
    %lt3A_139 = arith.cmpf olt, %sub3A_137, %sub3A_134 : vector<16xf32>
    %and3A_140 = arith.andi %eq3A_138, %lt3A_139 : vector<16xi1>
    %select_n3A_141 = arith.select %and3A_140, %sub3A_137, %sub3A_134 : vector<16xi1>, vector<16xf32>
    %sign3A_142 = tpu.bitcast %select_n3A_141 : vector<16xf32> -> vector<16xi32>
    %sign3A_143 = arith.constant -2147483648 : i32
    %sign3A_144 = vector.broadcast %sign3A_143 : i32 to vector<16xi32>
    %sign3A_145 = arith.andi %sign3A_142, %sign3A_144 : vector<16xi32>
    %sign3A_146 = arith.constant 1065353216 : i32
    %sign3A_147 = vector.broadcast %sign3A_146 : i32 to vector<16xi32>
    %sign3A_148 = arith.ori %sign3A_147, %sign3A_145 : vector<16xi32>
    %sign3A_149 = tpu.bitcast %sign3A_148 : vector<16xi32> -> vector<16xf32>
    %sign3A_150 = math.absf %select_n3A_141 : vector<16xf32>
    %sign3A_151 = arith.constant 0.000000e+00 : f32
    %sign3A_152 = vector.broadcast %sign3A_151 : f32 to vector<16xf32>
    %sign3A_153 = arith.cmpf ogt, %sign3A_150, %sign3A_152 : vector<16xf32>
    %sign3A_154 = arith.select %sign3A_153, %sign3A_149, %select_n3A_141 : vector<16xi1>, vector<16xf32>
    %eq3A_155 = arith.constant 0.000000e+00 : f32
    %eq3A_156 = vector.broadcast %eq3A_155 : f32 to vector<16xf32>
    %eq3A_157 = arith.cmpf oeq, %sign3A_154, %eq3A_156 : vector<16xf32>
    %jit3A_158 = arith.constant 1.000000e+00 : f32
    %broadcast_in_dim3A_159 = vector.broadcast %jit3A_158 : f32 to vector<16xf32>
    %select_n3A_160 = arith.select %eq3A_157, %broadcast_in_dim3A_159, %sign3A_154 : vector<16xi1>, vector<16xf32>
    %mul3A_161 = arith.mulf %select_n3A_160, %gather3A_95 : vector<16xf32>
    %swap3A_162 = arith.constant 16 : index
    %swap3A_163 = tpu.vector_load %arg9[%swap3A_162] {strides = array<i32>} : memref<128xf32, #tpu.memory_space<vmem>>, vector<16xf32>,
    tpu.vector_store %arg9[%swap3A_162], %mul3A_161 {strides = array<i32>} : memref<128xf32, #tpu.memory_space<vmem>>, vector<16xf32>,
    %add3A_164 = arith.constant 128 : i32
    %add3A_165 = vector.broadcast %add3A_164 : i32 to vector<16xi32>
    %add3A_166 = arith.addi %add3A_14, %add3A_165 : vector<16xi32>
    %gather3A_167 = tpu.vector_load_idx %arg6[%add3A_166] : memref<512xf32, #tpu.memory_space<vmem>>[vector<16xi32>], vector<16xf32>,
    %add3A_168 = arith.constant 4 : i32
    %add3A_169 = vector.broadcast %add3A_168 : i32 to vector<16xi32>
    %add3A_170 = arith.addi %add3A_166, %add3A_169 : vector<16xi32>
    %gather3A_171 = tpu.vector_load_idx %arg6[%add3A_170] : memref<512xf32, #tpu.memory_space<vmem>>[vector<16xi32>], vector<16xf32>,
    %add3A_172 = arith.constant 8 : i32
    %add3A_173 = vector.broadcast %add3A_172 : i32 to vector<16xi32>
    %add3A_174 = arith.addi %add3A_166, %add3A_173 : vector<16xi32>
    %gather3A_175 = tpu.vector_load_idx %arg6[%add3A_174] : memref<512xf32, #tpu.memory_space<vmem>>[vector<16xi32>], vector<16xf32>,
    %add3A_176 = arith.constant 12 : i32
    %add3A_177 = vector.broadcast %add3A_176 : i32 to vector<16xi32>
    %add3A_178 = arith.addi %add3A_166, %add3A_177 : vector<16xi32>
    %gather3A_179 = tpu.vector_load_idx %arg6[%add3A_178] : memref<512xf32, #tpu.memory_space<vmem>>[vector<16xi32>], vector<16xf32>,
    %convert_element_type3A_180 = arith.fptosi %gather3A_179 : vector<16xf32> to vector<16xi32>
    %sub3A_181 = arith.constant 1 : i32
    %sub3A_182 = vector.broadcast %sub3A_181 : i32 to vector<16xi32>
    %sub3A_183 = arith.subi %convert_element_type3A_180, %sub3A_182 : vector<16xi32>
    %max3A_184 = arith.constant 0 : i32
    %max3A_185 = vector.broadcast %max3A_184 : i32 to vector<16xi32>
    %max3A_186 = arith.maxsi %sub3A_183, %max3A_185 : vector<16xi32>
    %gather3A_187 = tpu.vector_load_idx %arg7[%convert_element_type3A_180] : memref<32000xf32, #tpu.memory_space<vmem>>[vector<16xi32>], vector<16xf32>,
    %add3A_188 = arith.constant 8000 : i32
    %add3A_189 = vector.broadcast %add3A_188 : i32 to vector<16xi32>
    %add3A_190 = arith.addi %convert_element_type3A_180, %add3A_189 : vector<16xi32>
    %gather3A_191 = tpu.vector_load_idx %arg7[%add3A_190] : memref<32000xf32, #tpu.memory_space<vmem>>[vector<16xi32>], vector<16xf32>,
    %add3A_192 = arith.constant 16000 : i32
    %add3A_193 = vector.broadcast %add3A_192 : i32 to vector<16xi32>
    %add3A_194 = arith.addi %convert_element_type3A_180, %add3A_193 : vector<16xi32>
    %gather3A_195 = tpu.vector_load_idx %arg7[%add3A_194] : memref<32000xf32, #tpu.memory_space<vmem>>[vector<16xi32>], vector<16xf32>,
    %add3A_196 = arith.constant 24000 : i32
    %add3A_197 = vector.broadcast %add3A_196 : i32 to vector<16xi32>
    %add3A_198 = arith.addi %convert_element_type3A_180, %add3A_197 : vector<16xi32>
    %gather3A_199 = tpu.vector_load_idx %arg7[%add3A_198] : memref<32000xf32, #tpu.memory_space<vmem>>[vector<16xi32>], vector<16xf32>,
    %add3A_200 = arith.constant 16000 : i32
    %add3A_201 = vector.broadcast %add3A_200 : i32 to vector<16xi32>
    %add3A_202 = arith.addi %max3A_186, %add3A_201 : vector<16xi32>
    %gather3A_203 = tpu.vector_load_idx %arg7[%add3A_202] : memref<32000xf32, #tpu.memory_space<vmem>>[vector<16xi32>], vector<16xf32>,
    %add3A_204 = arith.constant 24000 : i32
    %add3A_205 = vector.broadcast %add3A_204 : i32 to vector<16xi32>
    %add3A_206 = arith.addi %max3A_186, %add3A_205 : vector<16xi32>
    %gather3A_207 = tpu.vector_load_idx %arg7[%add3A_206] : memref<32000xf32, #tpu.memory_space<vmem>>[vector<16xi32>], vector<16xf32>,
    %gather3A_208 = tpu.vector_load_idx %arg8[%convert_element_type3A_180] : memref<8000xi32, #tpu.memory_space<vmem>>[vector<16xi32>], vector<16xi32>,
    %gather3A_209 = tpu.vector_load_idx %arg8[%max3A_186] : memref<8000xi32, #tpu.memory_space<vmem>>[vector<16xi32>], vector<16xi32>,
    %sub3A_210 = arith.subf %gather3A_167, %gather3A_187 : vector<16xf32>
    %sub3A_211 = arith.subf %gather3A_171, %gather3A_191 : vector<16xf32>
    %mul3A_212 = arith.mulf %sub3A_210, %gather3A_199 : vector<16xf32>
    %mul3A_213 = arith.mulf %sub3A_211, %gather3A_195 : vector<16xf32>
    %sub3A_214 = arith.subf %mul3A_212, %mul3A_213 : vector<16xf32>
    %mul3A_215 = arith.mulf %sub3A_210, %gather3A_207 : vector<16xf32>
    %mul3A_216 = arith.mulf %sub3A_211, %gather3A_203 : vector<16xf32>
    %sub3A_217 = arith.subf %mul3A_215, %mul3A_216 : vector<16xf32>
    %eq3A_218 = arith.cmpi eq, %gather3A_208, %gather3A_209 : vector<16xi32>
    %lt3A_219 = arith.cmpf olt, %sub3A_217, %sub3A_214 : vector<16xf32>
    %and3A_220 = arith.andi %eq3A_218, %lt3A_219 : vector<16xi1>
    %select_n3A_221 = arith.select %and3A_220, %sub3A_217, %sub3A_214 : vector<16xi1>, vector<16xf32>
    %sign3A_222 = tpu.bitcast %select_n3A_221 : vector<16xf32> -> vector<16xi32>
    %sign3A_223 = arith.constant -2147483648 : i32
    %sign3A_224 = vector.broadcast %sign3A_223 : i32 to vector<16xi32>
    %sign3A_225 = arith.andi %sign3A_222, %sign3A_224 : vector<16xi32>
    %sign3A_226 = arith.constant 1065353216 : i32
    %sign3A_227 = vector.broadcast %sign3A_226 : i32 to vector<16xi32>
    %sign3A_228 = arith.ori %sign3A_227, %sign3A_225 : vector<16xi32>
    %sign3A_229 = tpu.bitcast %sign3A_228 : vector<16xi32> -> vector<16xf32>
    %sign3A_230 = math.absf %select_n3A_221 : vector<16xf32>
    %sign3A_231 = arith.constant 0.000000e+00 : f32
    %sign3A_232 = vector.broadcast %sign3A_231 : f32 to vector<16xf32>
    %sign3A_233 = arith.cmpf ogt, %sign3A_230, %sign3A_232 : vector<16xf32>
    %sign3A_234 = arith.select %sign3A_233, %sign3A_229, %select_n3A_221 : vector<16xi1>, vector<16xf32>
    %eq3A_235 = arith.constant 0.000000e+00 : f32
    %eq3A_236 = vector.broadcast %eq3A_235 : f32 to vector<16xf32>
    %eq3A_237 = arith.cmpf oeq, %sign3A_234, %eq3A_236 : vector<16xf32>
    %jit3A_238 = arith.constant 1.000000e+00 : f32
    %broadcast_in_dim3A_239 = vector.broadcast %jit3A_238 : f32 to vector<16xf32>
    %select_n3A_240 = arith.select %eq3A_237, %broadcast_in_dim3A_239, %sign3A_234 : vector<16xi1>, vector<16xf32>
    %mul3A_241 = arith.mulf %select_n3A_240, %gather3A_175 : vector<16xf32>
    %swap3A_242 = arith.constant 32 : index
    %swap3A_243 = tpu.vector_load %arg9[%swap3A_242] {strides = array<i32>} : memref<128xf32, #tpu.memory_space<vmem>>, vector<16xf32>,
    tpu.vector_store %arg9[%swap3A_242], %mul3A_241 {strides = array<i32>} : memref<128xf32, #tpu.memory_space<vmem>>, vector<16xf32>,
    %add3A_244 = arith.constant 192 : i32
    %add3A_245 = vector.broadcast %add3A_244 : i32 to vector<16xi32>
    %add3A_246 = arith.addi %add3A_14, %add3A_245 : vector<16xi32>
    %gather3A_247 = tpu.vector_load_idx %arg6[%add3A_246] : memref<512xf32, #tpu.memory_space<vmem>>[vector<16xi32>], vector<16xf32>,
    %add3A_248 = arith.constant 4 : i32
    %add3A_249 = vector.broadcast %add3A_248 : i32 to vector<16xi32>
    %add3A_250 = arith.addi %add3A_246, %add3A_249 : vector<16xi32>
    %gather3A_251 = tpu.vector_load_idx %arg6[%add3A_250] : memref<512xf32, #tpu.memory_space<vmem>>[vector<16xi32>], vector<16xf32>,
    %add3A_252 = arith.constant 8 : i32
    %add3A_253 = vector.broadcast %add3A_252 : i32 to vector<16xi32>
    %add3A_254 = arith.addi %add3A_246, %add3A_253 : vector<16xi32>
    %gather3A_255 = tpu.vector_load_idx %arg6[%add3A_254] : memref<512xf32, #tpu.memory_space<vmem>>[vector<16xi32>], vector<16xf32>,
    %add3A_256 = arith.constant 12 : i32
    %add3A_257 = vector.broadcast %add3A_256 : i32 to vector<16xi32>
    %add3A_258 = arith.addi %add3A_246, %add3A_257 : vector<16xi32>
    %gather3A_259 = tpu.vector_load_idx %arg6[%add3A_258] : memref<512xf32, #tpu.memory_space<vmem>>[vector<16xi32>], vector<16xf32>,
    %convert_element_type3A_260 = arith.fptosi %gather3A_259 : vector<16xf32> to vector<16xi32>
    %sub3A_261 = arith.constant 1 : i32
    %sub3A_262 = vector.broadcast %sub3A_261 : i32 to vector<16xi32>
    %sub3A_263 = arith.subi %convert_element_type3A_260, %sub3A_262 : vector<16xi32>
    %max3A_264 = arith.constant 0 : i32
    %max3A_265 = vector.broadcast %max3A_264 : i32 to vector<16xi32>
    %max3A_266 = arith.maxsi %sub3A_263, %max3A_265 : vector<16xi32>
    %gather3A_267 = tpu.vector_load_idx %arg7[%convert_element_type3A_260] : memref<32000xf32, #tpu.memory_space<vmem>>[vector<16xi32>], vector<16xf32>,
    %add3A_268 = arith.constant 8000 : i32
    %add3A_269 = vector.broadcast %add3A_268 : i32 to vector<16xi32>
    %add3A_270 = arith.addi %convert_element_type3A_260, %add3A_269 : vector<16xi32>
    %gather3A_271 = tpu.vector_load_idx %arg7[%add3A_270] : memref<32000xf32, #tpu.memory_space<vmem>>[vector<16xi32>], vector<16xf32>,
    %add3A_272 = arith.constant 16000 : i32
    %add3A_273 = vector.broadcast %add3A_272 : i32 to vector<16xi32>
    %add3A_274 = arith.addi %convert_element_type3A_260, %add3A_273 : vector<16xi32>
    %gather3A_275 = tpu.vector_load_idx %arg7[%add3A_274] : memref<32000xf32, #tpu.memory_space<vmem>>[vector<16xi32>], vector<16xf32>,
    %add3A_276 = arith.constant 24000 : i32
    %add3A_277 = vector.broadcast %add3A_276 : i32 to vector<16xi32>
    %add3A_278 = arith.addi %convert_element_type3A_260, %add3A_277 : vector<16xi32>
    %gather3A_279 = tpu.vector_load_idx %arg7[%add3A_278] : memref<32000xf32, #tpu.memory_space<vmem>>[vector<16xi32>], vector<16xf32>,
    %add3A_280 = arith.constant 16000 : i32
    %add3A_281 = vector.broadcast %add3A_280 : i32 to vector<16xi32>
    %add3A_282 = arith.addi %max3A_266, %add3A_281 : vector<16xi32>
    %gather3A_283 = tpu.vector_load_idx %arg7[%add3A_282] : memref<32000xf32, #tpu.memory_space<vmem>>[vector<16xi32>], vector<16xf32>,
    %add3A_284 = arith.constant 24000 : i32
    %add3A_285 = vector.broadcast %add3A_284 : i32 to vector<16xi32>
    %add3A_286 = arith.addi %max3A_266, %add3A_285 : vector<16xi32>
    %gather3A_287 = tpu.vector_load_idx %arg7[%add3A_286] : memref<32000xf32, #tpu.memory_space<vmem>>[vector<16xi32>], vector<16xf32>,
    %gather3A_288 = tpu.vector_load_idx %arg8[%convert_element_type3A_260] : memref<8000xi32, #tpu.memory_space<vmem>>[vector<16xi32>], vector<16xi32>,
    %gather3A_289 = tpu.vector_load_idx %arg8[%max3A_266] : memref<8000xi32, #tpu.memory_space<vmem>>[vector<16xi32>], vector<16xi32>,
    %sub3A_290 = arith.subf %gather3A_247, %gather3A_267 : vector<16xf32>
    %sub3A_291 = arith.subf %gather3A_251, %gather3A_271 : vector<16xf32>
    %mul3A_292 = arith.mulf %sub3A_290, %gather3A_279 : vector<16xf32>
    %mul3A_293 = arith.mulf %sub3A_291, %gather3A_275 : vector<16xf32>
    %sub3A_294 = arith.subf %mul3A_292, %mul3A_293 : vector<16xf32>
    %mul3A_295 = arith.mulf %sub3A_290, %gather3A_287 : vector<16xf32>
    %mul3A_296 = arith.mulf %sub3A_291, %gather3A_283 : vector<16xf32>
    %sub3A_297 = arith.subf %mul3A_295, %mul3A_296 : vector<16xf32>
    %eq3A_298 = arith.cmpi eq, %gather3A_288, %gather3A_289 : vector<16xi32>
    %lt3A_299 = arith.cmpf olt, %sub3A_297, %sub3A_294 : vector<16xf32>
    %and3A_300 = arith.andi %eq3A_298, %lt3A_299 : vector<16xi1>
    %select_n3A_301 = arith.select %and3A_300, %sub3A_297, %sub3A_294 : vector<16xi1>, vector<16xf32>
    %sign3A_302 = tpu.bitcast %select_n3A_301 : vector<16xf32> -> vector<16xi32>
    %sign3A_303 = arith.constant -2147483648 : i32
    %sign3A_304 = vector.broadcast %sign3A_303 : i32 to vector<16xi32>
    %sign3A_305 = arith.andi %sign3A_302, %sign3A_304 : vector<16xi32>
    %sign3A_306 = arith.constant 1065353216 : i32
    %sign3A_307 = vector.broadcast %sign3A_306 : i32 to vector<16xi32>
    %sign3A_308 = arith.ori %sign3A_307, %sign3A_305 : vector<16xi32>
    %sign3A_309 = tpu.bitcast %sign3A_308 : vector<16xi32> -> vector<16xf32>
    %sign3A_310 = math.absf %select_n3A_301 : vector<16xf32>
    %sign3A_311 = arith.constant 0.000000e+00 : f32
    %sign3A_312 = vector.broadcast %sign3A_311 : f32 to vector<16xf32>
    %sign3A_313 = arith.cmpf ogt, %sign3A_310, %sign3A_312 : vector<16xf32>
    %sign3A_314 = arith.select %sign3A_313, %sign3A_309, %select_n3A_301 : vector<16xi1>, vector<16xf32>
    %eq3A_315 = arith.constant 0.000000e+00 : f32
    %eq3A_316 = vector.broadcast %eq3A_315 : f32 to vector<16xf32>
    %eq3A_317 = arith.cmpf oeq, %sign3A_314, %eq3A_316 : vector<16xf32>
    %jit3A_318 = arith.constant 1.000000e+00 : f32
    %broadcast_in_dim3A_319 = vector.broadcast %jit3A_318 : f32 to vector<16xf32>
    %select_n3A_320 = arith.select %eq3A_317, %broadcast_in_dim3A_319, %sign3A_314 : vector<16xi1>, vector<16xf32>
    %mul3A_321 = arith.mulf %select_n3A_320, %gather3A_255 : vector<16xf32>
    %swap3A_322 = arith.constant 48 : index
    %swap3A_323 = tpu.vector_load %arg9[%swap3A_322] {strides = array<i32>} : memref<128xf32, #tpu.memory_space<vmem>>, vector<16xf32>,
    tpu.vector_store %arg9[%swap3A_322], %mul3A_321 {strides = array<i32>} : memref<128xf32, #tpu.memory_space<vmem>>, vector<16xf32>,
    %add3A_324 = arith.constant 256 : i32
    %add3A_325 = vector.broadcast %add3A_324 : i32 to vector<16xi32>
    %add3A_326 = arith.addi %add3A_14, %add3A_325 : vector<16xi32>
    %gather3A_327 = tpu.vector_load_idx %arg6[%add3A_326] : memref<512xf32, #tpu.memory_space<vmem>>[vector<16xi32>], vector<16xf32>,
    %add3A_328 = arith.constant 4 : i32
    %add3A_329 = vector.broadcast %add3A_328 : i32 to vector<16xi32>
    %add3A_330 = arith.addi %add3A_326, %add3A_329 : vector<16xi32>
    %gather3A_331 = tpu.vector_load_idx %arg6[%add3A_330] : memref<512xf32, #tpu.memory_space<vmem>>[vector<16xi32>], vector<16xf32>,
    %add3A_332 = arith.constant 8 : i32
    %add3A_333 = vector.broadcast %add3A_332 : i32 to vector<16xi32>
    %add3A_334 = arith.addi %add3A_326, %add3A_333 : vector<16xi32>
    %gather3A_335 = tpu.vector_load_idx %arg6[%add3A_334] : memref<512xf32, #tpu.memory_space<vmem>>[vector<16xi32>], vector<16xf32>,
    %add3A_336 = arith.constant 12 : i32
    %add3A_337 = vector.broadcast %add3A_336 : i32 to vector<16xi32>
    %add3A_338 = arith.addi %add3A_326, %add3A_337 : vector<16xi32>
    %gather3A_339 = tpu.vector_load_idx %arg6[%add3A_338] : memref<512xf32, #tpu.memory_space<vmem>>[vector<16xi32>], vector<16xf32>,
    %convert_element_type3A_340 = arith.fptosi %gather3A_339 : vector<16xf32> to vector<16xi32>
    %sub3A_341 = arith.constant 1 : i32
    %sub3A_342 = vector.broadcast %sub3A_341 : i32 to vector<16xi32>
    %sub3A_343 = arith.subi %convert_element_type3A_340, %sub3A_342 : vector<16xi32>
    %max3A_344 = arith.constant 0 : i32
    %max3A_345 = vector.broadcast %max3A_344 : i32 to vector<16xi32>
    %max3A_346 = arith.maxsi %sub3A_343, %max3A_345 : vector<16xi32>
    %gather3A_347 = tpu.vector_load_idx %arg7[%convert_element_type3A_340] : memref<32000xf32, #tpu.memory_space<vmem>>[vector<16xi32>], vector<16xf32>,
    %add3A_348 = arith.constant 8000 : i32
    %add3A_349 = vector.broadcast %add3A_348 : i32 to vector<16xi32>
    %add3A_350 = arith.addi %convert_element_type3A_340, %add3A_349 : vector<16xi32>
    %gather3A_351 = tpu.vector_load_idx %arg7[%add3A_350] : memref<32000xf32, #tpu.memory_space<vmem>>[vector<16xi32>], vector<16xf32>,
    %add3A_352 = arith.constant 16000 : i32
    %add3A_353 = vector.broadcast %add3A_352 : i32 to vector<16xi32>
    %add3A_354 = arith.addi %convert_element_type3A_340, %add3A_353 : vector<16xi32>
    %gather3A_355 = tpu.vector_load_idx %arg7[%add3A_354] : memref<32000xf32, #tpu.memory_space<vmem>>[vector<16xi32>], vector<16xf32>,
    %add3A_356 = arith.constant 24000 : i32
    %add3A_357 = vector.broadcast %add3A_356 : i32 to vector<16xi32>
    %add3A_358 = arith.addi %convert_element_type3A_340, %add3A_357 : vector<16xi32>
    %gather3A_359 = tpu.vector_load_idx %arg7[%add3A_358] : memref<32000xf32, #tpu.memory_space<vmem>>[vector<16xi32>], vector<16xf32>,
    %add3A_360 = arith.constant 16000 : i32
    %add3A_361 = vector.broadcast %add3A_360 : i32 to vector<16xi32>
    %add3A_362 = arith.addi %max3A_346, %add3A_361 : vector<16xi32>
    %gather3A_363 = tpu.vector_load_idx %arg7[%add3A_362] : memref<32000xf32, #tpu.memory_space<vmem>>[vector<16xi32>], vector<16xf32>,
    %add3A_364 = arith.constant 24000 : i32
    %add3A_365 = vector.broadcast %add3A_364 : i32 to vector<16xi32>
    %add3A_366 = arith.addi %max3A_346, %add3A_365 : vector<16xi32>
    %gather3A_367 = tpu.vector_load_idx %arg7[%add3A_366] : memref<32000xf32, #tpu.memory_space<vmem>>[vector<16xi32>], vector<16xf32>,
    %gather3A_368 = tpu.vector_load_idx %arg8[%convert_element_type3A_340] : memref<8000xi32, #tpu.memory_space<vmem>>[vector<16xi32>], vector<16xi32>,
    %gather3A_369 = tpu.vector_load_idx %arg8[%max3A_346] : memref<8000xi32, #tpu.memory_space<vmem>>[vector<16xi32>], vector<16xi32>,
    %sub3A_370 = arith.subf %gather3A_327, %gather3A_347 : vector<16xf32>
    %sub3A_371 = arith.subf %gather3A_331, %gather3A_351 : vector<16xf32>
    %mul3A_372 = arith.mulf %sub3A_370, %gather3A_359 : vector<16xf32>
    %mul3A_373 = arith.mulf %sub3A_371, %gather3A_355 : vector<16xf32>
    %sub3A_374 = arith.subf %mul3A_372, %mul3A_373 : vector<16xf32>
    %mul3A_375 = arith.mulf %sub3A_370, %gather3A_367 : vector<16xf32>
    %mul3A_376 = arith.mulf %sub3A_371, %gather3A_363 : vector<16xf32>
    %sub3A_377 = arith.subf %mul3A_375, %mul3A_376 : vector<16xf32>
    %eq3A_378 = arith.cmpi eq, %gather3A_368, %gather3A_369 : vector<16xi32>
    %lt3A_379 = arith.cmpf olt, %sub3A_377, %sub3A_374 : vector<16xf32>
    %and3A_380 = arith.andi %eq3A_378, %lt3A_379 : vector<16xi1>
    %select_n3A_381 = arith.select %and3A_380, %sub3A_377, %sub3A_374 : vector<16xi1>, vector<16xf32>
    %sign3A_382 = tpu.bitcast %select_n3A_381 : vector<16xf32> -> vector<16xi32>
    %sign3A_383 = arith.constant -2147483648 : i32
    %sign3A_384 = vector.broadcast %sign3A_383 : i32 to vector<16xi32>
    %sign3A_385 = arith.andi %sign3A_382, %sign3A_384 : vector<16xi32>
    %sign3A_386 = arith.constant 1065353216 : i32
    %sign3A_387 = vector.broadcast %sign3A_386 : i32 to vector<16xi32>
    %sign3A_388 = arith.ori %sign3A_387, %sign3A_385 : vector<16xi32>
    %sign3A_389 = tpu.bitcast %sign3A_388 : vector<16xi32> -> vector<16xf32>
    %sign3A_390 = math.absf %select_n3A_381 : vector<16xf32>
    %sign3A_391 = arith.constant 0.000000e+00 : f32
    %sign3A_392 = vector.broadcast %sign3A_391 : f32 to vector<16xf32>
    %sign3A_393 = arith.cmpf ogt, %sign3A_390, %sign3A_392 : vector<16xf32>
    %sign3A_394 = arith.select %sign3A_393, %sign3A_389, %select_n3A_381 : vector<16xi1>, vector<16xf32>
    %eq3A_395 = arith.constant 0.000000e+00 : f32
    %eq3A_396 = vector.broadcast %eq3A_395 : f32 to vector<16xf32>
    %eq3A_397 = arith.cmpf oeq, %sign3A_394, %eq3A_396 : vector<16xf32>
    %jit3A_398 = arith.constant 1.000000e+00 : f32
    %broadcast_in_dim3A_399 = vector.broadcast %jit3A_398 : f32 to vector<16xf32>
    %select_n3A_400 = arith.select %eq3A_397, %broadcast_in_dim3A_399, %sign3A_394 : vector<16xi1>, vector<16xf32>
    %mul3A_401 = arith.mulf %select_n3A_400, %gather3A_335 : vector<16xf32>
    %swap3A_402 = arith.constant 64 : index
    %swap3A_403 = tpu.vector_load %arg9[%swap3A_402] {strides = array<i32>} : memref<128xf32, #tpu.memory_space<vmem>>, vector<16xf32>,
    tpu.vector_store %arg9[%swap3A_402], %mul3A_401 {strides = array<i32>} : memref<128xf32, #tpu.memory_space<vmem>>, vector<16xf32>,
    %add3A_404 = arith.constant 320 : i32
    %add3A_405 = vector.broadcast %add3A_404 : i32 to vector<16xi32>
    %add3A_406 = arith.addi %add3A_14, %add3A_405 : vector<16xi32>
    %gather3A_407 = tpu.vector_load_idx %arg6[%add3A_406] : memref<512xf32, #tpu.memory_space<vmem>>[vector<16xi32>], vector<16xf32>,
    %add3A_408 = arith.constant 4 : i32
    %add3A_409 = vector.broadcast %add3A_408 : i32 to vector<16xi32>
    %add3A_410 = arith.addi %add3A_406, %add3A_409 : vector<16xi32>
    %gather3A_411 = tpu.vector_load_idx %arg6[%add3A_410] : memref<512xf32, #tpu.memory_space<vmem>>[vector<16xi32>], vector<16xf32>,
    %add3A_412 = arith.constant 8 : i32
    %add3A_413 = vector.broadcast %add3A_412 : i32 to vector<16xi32>
    %add3A_414 = arith.addi %add3A_406, %add3A_413 : vector<16xi32>
    %gather3A_415 = tpu.vector_load_idx %arg6[%add3A_414] : memref<512xf32, #tpu.memory_space<vmem>>[vector<16xi32>], vector<16xf32>,
    %add3A_416 = arith.constant 12 : i32
    %add3A_417 = vector.broadcast %add3A_416 : i32 to vector<16xi32>
    %add3A_418 = arith.addi %add3A_406, %add3A_417 : vector<16xi32>
    %gather3A_419 = tpu.vector_load_idx %arg6[%add3A_418] : memref<512xf32, #tpu.memory_space<vmem>>[vector<16xi32>], vector<16xf32>,
    %convert_element_type3A_420 = arith.fptosi %gather3A_419 : vector<16xf32> to vector<16xi32>
    %sub3A_421 = arith.constant 1 : i32
    %sub3A_422 = vector.broadcast %sub3A_421 : i32 to vector<16xi32>
    %sub3A_423 = arith.subi %convert_element_type3A_420, %sub3A_422 : vector<16xi32>
    %max3A_424 = arith.constant 0 : i32
    %max3A_425 = vector.broadcast %max3A_424 : i32 to vector<16xi32>
    %max3A_426 = arith.maxsi %sub3A_423, %max3A_425 : vector<16xi32>
    %gather3A_427 = tpu.vector_load_idx %arg7[%convert_element_type3A_420] : memref<32000xf32, #tpu.memory_space<vmem>>[vector<16xi32>], vector<16xf32>,
    %add3A_428 = arith.constant 8000 : i32
    %add3A_429 = vector.broadcast %add3A_428 : i32 to vector<16xi32>
    %add3A_430 = arith.addi %convert_element_type3A_420, %add3A_429 : vector<16xi32>
    %gather3A_431 = tpu.vector_load_idx %arg7[%add3A_430] : memref<32000xf32, #tpu.memory_space<vmem>>[vector<16xi32>], vector<16xf32>,
    %add3A_432 = arith.constant 16000 : i32
    %add3A_433 = vector.broadcast %add3A_432 : i32 to vector<16xi32>
    %add3A_434 = arith.addi %convert_element_type3A_420, %add3A_433 : vector<16xi32>
    %gather3A_435 = tpu.vector_load_idx %arg7[%add3A_434] : memref<32000xf32, #tpu.memory_space<vmem>>[vector<16xi32>], vector<16xf32>,
    %add3A_436 = arith.constant 24000 : i32
    %add3A_437 = vector.broadcast %add3A_436 : i32 to vector<16xi32>
    %add3A_438 = arith.addi %convert_element_type3A_420, %add3A_437 : vector<16xi32>
    %gather3A_439 = tpu.vector_load_idx %arg7[%add3A_438] : memref<32000xf32, #tpu.memory_space<vmem>>[vector<16xi32>], vector<16xf32>,
    %add3A_440 = arith.constant 16000 : i32
    %add3A_441 = vector.broadcast %add3A_440 : i32 to vector<16xi32>
    %add3A_442 = arith.addi %max3A_426, %add3A_441 : vector<16xi32>
    %gather3A_443 = tpu.vector_load_idx %arg7[%add3A_442] : memref<32000xf32, #tpu.memory_space<vmem>>[vector<16xi32>], vector<16xf32>,
    %add3A_444 = arith.constant 24000 : i32
    %add3A_445 = vector.broadcast %add3A_444 : i32 to vector<16xi32>
    %add3A_446 = arith.addi %max3A_426, %add3A_445 : vector<16xi32>
    %gather3A_447 = tpu.vector_load_idx %arg7[%add3A_446] : memref<32000xf32, #tpu.memory_space<vmem>>[vector<16xi32>], vector<16xf32>,
    %gather3A_448 = tpu.vector_load_idx %arg8[%convert_element_type3A_420] : memref<8000xi32, #tpu.memory_space<vmem>>[vector<16xi32>], vector<16xi32>,
    %gather3A_449 = tpu.vector_load_idx %arg8[%max3A_426] : memref<8000xi32, #tpu.memory_space<vmem>>[vector<16xi32>], vector<16xi32>,
    %sub3A_450 = arith.subf %gather3A_407, %gather3A_427 : vector<16xf32>
    %sub3A_451 = arith.subf %gather3A_411, %gather3A_431 : vector<16xf32>
    %mul3A_452 = arith.mulf %sub3A_450, %gather3A_439 : vector<16xf32>
    %mul3A_453 = arith.mulf %sub3A_451, %gather3A_435 : vector<16xf32>
    %sub3A_454 = arith.subf %mul3A_452, %mul3A_453 : vector<16xf32>
    %mul3A_455 = arith.mulf %sub3A_450, %gather3A_447 : vector<16xf32>
    %mul3A_456 = arith.mulf %sub3A_451, %gather3A_443 : vector<16xf32>
    %sub3A_457 = arith.subf %mul3A_455, %mul3A_456 : vector<16xf32>
    %eq3A_458 = arith.cmpi eq, %gather3A_448, %gather3A_449 : vector<16xi32>
    %lt3A_459 = arith.cmpf olt, %sub3A_457, %sub3A_454 : vector<16xf32>
    %and3A_460 = arith.andi %eq3A_458, %lt3A_459 : vector<16xi1>
    %select_n3A_461 = arith.select %and3A_460, %sub3A_457, %sub3A_454 : vector<16xi1>, vector<16xf32>
    %sign3A_462 = tpu.bitcast %select_n3A_461 : vector<16xf32> -> vector<16xi32>
    %sign3A_463 = arith.constant -2147483648 : i32
    %sign3A_464 = vector.broadcast %sign3A_463 : i32 to vector<16xi32>
    %sign3A_465 = arith.andi %sign3A_462, %sign3A_464 : vector<16xi32>
    %sign3A_466 = arith.constant 1065353216 : i32
    %sign3A_467 = vector.broadcast %sign3A_466 : i32 to vector<16xi32>
    %sign3A_468 = arith.ori %sign3A_467, %sign3A_465 : vector<16xi32>
    %sign3A_469 = tpu.bitcast %sign3A_468 : vector<16xi32> -> vector<16xf32>
    %sign3A_470 = math.absf %select_n3A_461 : vector<16xf32>
    %sign3A_471 = arith.constant 0.000000e+00 : f32
    %sign3A_472 = vector.broadcast %sign3A_471 : f32 to vector<16xf32>
    %sign3A_473 = arith.cmpf ogt, %sign3A_470, %sign3A_472 : vector<16xf32>
    %sign3A_474 = arith.select %sign3A_473, %sign3A_469, %select_n3A_461 : vector<16xi1>, vector<16xf32>
    %eq3A_475 = arith.constant 0.000000e+00 : f32
    %eq3A_476 = vector.broadcast %eq3A_475 : f32 to vector<16xf32>
    %eq3A_477 = arith.cmpf oeq, %sign3A_474, %eq3A_476 : vector<16xf32>
    %jit3A_478 = arith.constant 1.000000e+00 : f32
    %broadcast_in_dim3A_479 = vector.broadcast %jit3A_478 : f32 to vector<16xf32>
    %select_n3A_480 = arith.select %eq3A_477, %broadcast_in_dim3A_479, %sign3A_474 : vector<16xi1>, vector<16xf32>
    %mul3A_481 = arith.mulf %select_n3A_480, %gather3A_415 : vector<16xf32>
    %swap3A_482 = arith.constant 80 : index
    %swap3A_483 = tpu.vector_load %arg9[%swap3A_482] {strides = array<i32>} : memref<128xf32, #tpu.memory_space<vmem>>, vector<16xf32>,
    tpu.vector_store %arg9[%swap3A_482], %mul3A_481 {strides = array<i32>} : memref<128xf32, #tpu.memory_space<vmem>>, vector<16xf32>,
    %add3A_484 = arith.constant 384 : i32
    %add3A_485 = vector.broadcast %add3A_484 : i32 to vector<16xi32>
    %add3A_486 = arith.addi %add3A_14, %add3A_485 : vector<16xi32>
    %gather3A_487 = tpu.vector_load_idx %arg6[%add3A_486] : memref<512xf32, #tpu.memory_space<vmem>>[vector<16xi32>], vector<16xf32>,
    %add3A_488 = arith.constant 4 : i32
    %add3A_489 = vector.broadcast %add3A_488 : i32 to vector<16xi32>
    %add3A_490 = arith.addi %add3A_486, %add3A_489 : vector<16xi32>
    %gather3A_491 = tpu.vector_load_idx %arg6[%add3A_490] : memref<512xf32, #tpu.memory_space<vmem>>[vector<16xi32>], vector<16xf32>,
    %add3A_492 = arith.constant 8 : i32
    %add3A_493 = vector.broadcast %add3A_492 : i32 to vector<16xi32>
    %add3A_494 = arith.addi %add3A_486, %add3A_493 : vector<16xi32>
    %gather3A_495 = tpu.vector_load_idx %arg6[%add3A_494] : memref<512xf32, #tpu.memory_space<vmem>>[vector<16xi32>], vector<16xf32>,
    %add3A_496 = arith.constant 12 : i32
    %add3A_497 = vector.broadcast %add3A_496 : i32 to vector<16xi32>
    %add3A_498 = arith.addi %add3A_486, %add3A_497 : vector<16xi32>
    %gather3A_499 = tpu.vector_load_idx %arg6[%add3A_498] : memref<512xf32, #tpu.memory_space<vmem>>[vector<16xi32>], vector<16xf32>,
    %convert_element_type3A_500 = arith.fptosi %gather3A_499 : vector<16xf32> to vector<16xi32>
    %sub3A_501 = arith.constant 1 : i32
    %sub3A_502 = vector.broadcast %sub3A_501 : i32 to vector<16xi32>
    %sub3A_503 = arith.subi %convert_element_type3A_500, %sub3A_502 : vector<16xi32>
    %max3A_504 = arith.constant 0 : i32
    %max3A_505 = vector.broadcast %max3A_504 : i32 to vector<16xi32>
    %max3A_506 = arith.maxsi %sub3A_503, %max3A_505 : vector<16xi32>
    %gather3A_507 = tpu.vector_load_idx %arg7[%convert_element_type3A_500] : memref<32000xf32, #tpu.memory_space<vmem>>[vector<16xi32>], vector<16xf32>,
    %add3A_508 = arith.constant 8000 : i32
    %add3A_509 = vector.broadcast %add3A_508 : i32 to vector<16xi32>
    %add3A_510 = arith.addi %convert_element_type3A_500, %add3A_509 : vector<16xi32>
    %gather3A_511 = tpu.vector_load_idx %arg7[%add3A_510] : memref<32000xf32, #tpu.memory_space<vmem>>[vector<16xi32>], vector<16xf32>,
    %add3A_512 = arith.constant 16000 : i32
    %add3A_513 = vector.broadcast %add3A_512 : i32 to vector<16xi32>
    %add3A_514 = arith.addi %convert_element_type3A_500, %add3A_513 : vector<16xi32>
    %gather3A_515 = tpu.vector_load_idx %arg7[%add3A_514] : memref<32000xf32, #tpu.memory_space<vmem>>[vector<16xi32>], vector<16xf32>,
    %add3A_516 = arith.constant 24000 : i32
    %add3A_517 = vector.broadcast %add3A_516 : i32 to vector<16xi32>
    %add3A_518 = arith.addi %convert_element_type3A_500, %add3A_517 : vector<16xi32>
    %gather3A_519 = tpu.vector_load_idx %arg7[%add3A_518] : memref<32000xf32, #tpu.memory_space<vmem>>[vector<16xi32>], vector<16xf32>,
    %add3A_520 = arith.constant 16000 : i32
    %add3A_521 = vector.broadcast %add3A_520 : i32 to vector<16xi32>
    %add3A_522 = arith.addi %max3A_506, %add3A_521 : vector<16xi32>
    %gather3A_523 = tpu.vector_load_idx %arg7[%add3A_522] : memref<32000xf32, #tpu.memory_space<vmem>>[vector<16xi32>], vector<16xf32>,
    %add3A_524 = arith.constant 24000 : i32
    %add3A_525 = vector.broadcast %add3A_524 : i32 to vector<16xi32>
    %add3A_526 = arith.addi %max3A_506, %add3A_525 : vector<16xi32>
    %gather3A_527 = tpu.vector_load_idx %arg7[%add3A_526] : memref<32000xf32, #tpu.memory_space<vmem>>[vector<16xi32>], vector<16xf32>,
    %gather3A_528 = tpu.vector_load_idx %arg8[%convert_element_type3A_500] : memref<8000xi32, #tpu.memory_space<vmem>>[vector<16xi32>], vector<16xi32>,
    %gather3A_529 = tpu.vector_load_idx %arg8[%max3A_506] : memref<8000xi32, #tpu.memory_space<vmem>>[vector<16xi32>], vector<16xi32>,
    %sub3A_530 = arith.subf %gather3A_487, %gather3A_507 : vector<16xf32>
    %sub3A_531 = arith.subf %gather3A_491, %gather3A_511 : vector<16xf32>
    %mul3A_532 = arith.mulf %sub3A_530, %gather3A_519 : vector<16xf32>
    %mul3A_533 = arith.mulf %sub3A_531, %gather3A_515 : vector<16xf32>
    %sub3A_534 = arith.subf %mul3A_532, %mul3A_533 : vector<16xf32>
    %mul3A_535 = arith.mulf %sub3A_530, %gather3A_527 : vector<16xf32>
    %mul3A_536 = arith.mulf %sub3A_531, %gather3A_523 : vector<16xf32>
    %sub3A_537 = arith.subf %mul3A_535, %mul3A_536 : vector<16xf32>
    %eq3A_538 = arith.cmpi eq, %gather3A_528, %gather3A_529 : vector<16xi32>
    %lt3A_539 = arith.cmpf olt, %sub3A_537, %sub3A_534 : vector<16xf32>
    %and3A_540 = arith.andi %eq3A_538, %lt3A_539 : vector<16xi1>
    %select_n3A_541 = arith.select %and3A_540, %sub3A_537, %sub3A_534 : vector<16xi1>, vector<16xf32>
    %sign3A_542 = tpu.bitcast %select_n3A_541 : vector<16xf32> -> vector<16xi32>
    %sign3A_543 = arith.constant -2147483648 : i32
    %sign3A_544 = vector.broadcast %sign3A_543 : i32 to vector<16xi32>
    %sign3A_545 = arith.andi %sign3A_542, %sign3A_544 : vector<16xi32>
    %sign3A_546 = arith.constant 1065353216 : i32
    %sign3A_547 = vector.broadcast %sign3A_546 : i32 to vector<16xi32>
    %sign3A_548 = arith.ori %sign3A_547, %sign3A_545 : vector<16xi32>
    %sign3A_549 = tpu.bitcast %sign3A_548 : vector<16xi32> -> vector<16xf32>
    %sign3A_550 = math.absf %select_n3A_541 : vector<16xf32>
    %sign3A_551 = arith.constant 0.000000e+00 : f32
    %sign3A_552 = vector.broadcast %sign3A_551 : f32 to vector<16xf32>
    %sign3A_553 = arith.cmpf ogt, %sign3A_550, %sign3A_552 : vector<16xf32>
    %sign3A_554 = arith.select %sign3A_553, %sign3A_549, %select_n3A_541 : vector<16xi1>, vector<16xf32>
    %eq3A_555 = arith.constant 0.000000e+00 : f32
    %eq3A_556 = vector.broadcast %eq3A_555 : f32 to vector<16xf32>
    %eq3A_557 = arith.cmpf oeq, %sign3A_554, %eq3A_556 : vector<16xf32>
    %jit3A_558 = arith.constant 1.000000e+00 : f32
    %broadcast_in_dim3A_559 = vector.broadcast %jit3A_558 : f32 to vector<16xf32>
    %select_n3A_560 = arith.select %eq3A_557, %broadcast_in_dim3A_559, %sign3A_554 : vector<16xi1>, vector<16xf32>
    %mul3A_561 = arith.mulf %select_n3A_560, %gather3A_495 : vector<16xf32>
    %swap3A_562 = arith.constant 96 : index
    %swap3A_563 = tpu.vector_load %arg9[%swap3A_562] {strides = array<i32>} : memref<128xf32, #tpu.memory_space<vmem>>, vector<16xf32>,
    tpu.vector_store %arg9[%swap3A_562], %mul3A_561 {strides = array<i32>} : memref<128xf32, #tpu.memory_space<vmem>>, vector<16xf32>,
    %add3A_564 = arith.constant 448 : i32
    %add3A_565 = vector.broadcast %add3A_564 : i32 to vector<16xi32>
    %add3A_566 = arith.addi %add3A_14, %add3A_565 : vector<16xi32>
    %gather3A_567 = tpu.vector_load_idx %arg6[%add3A_566] : memref<512xf32, #tpu.memory_space<vmem>>[vector<16xi32>], vector<16xf32>,
    %add3A_568 = arith.constant 4 : i32
    %add3A_569 = vector.broadcast %add3A_568 : i32 to vector<16xi32>
    %add3A_570 = arith.addi %add3A_566, %add3A_569 : vector<16xi32>
    %gather3A_571 = tpu.vector_load_idx %arg6[%add3A_570] : memref<512xf32, #tpu.memory_space<vmem>>[vector<16xi32>], vector<16xf32>,
    %add3A_572 = arith.constant 8 : i32
    %add3A_573 = vector.broadcast %add3A_572 : i32 to vector<16xi32>
    %add3A_574 = arith.addi %add3A_566, %add3A_573 : vector<16xi32>
    %gather3A_575 = tpu.vector_load_idx %arg6[%add3A_574] : memref<512xf32, #tpu.memory_space<vmem>>[vector<16xi32>], vector<16xf32>,
    %add3A_576 = arith.constant 12 : i32
    %add3A_577 = vector.broadcast %add3A_576 : i32 to vector<16xi32>
    %add3A_578 = arith.addi %add3A_566, %add3A_577 : vector<16xi32>
    %gather3A_579 = tpu.vector_load_idx %arg6[%add3A_578] : memref<512xf32, #tpu.memory_space<vmem>>[vector<16xi32>], vector<16xf32>,
    %convert_element_type3A_580 = arith.fptosi %gather3A_579 : vector<16xf32> to vector<16xi32>
    %sub3A_581 = arith.constant 1 : i32
    %sub3A_582 = vector.broadcast %sub3A_581 : i32 to vector<16xi32>
    %sub3A_583 = arith.subi %convert_element_type3A_580, %sub3A_582 : vector<16xi32>
    %max3A_584 = arith.constant 0 : i32
    %max3A_585 = vector.broadcast %max3A_584 : i32 to vector<16xi32>
    %max3A_586 = arith.maxsi %sub3A_583, %max3A_585 : vector<16xi32>
    %gather3A_587 = tpu.vector_load_idx %arg7[%convert_element_type3A_580] : memref<32000xf32, #tpu.memory_space<vmem>>[vector<16xi32>], vector<16xf32>,
    %add3A_588 = arith.constant 8000 : i32
    %add3A_589 = vector.broadcast %add3A_588 : i32 to vector<16xi32>
    %add3A_590 = arith.addi %convert_element_type3A_580, %add3A_589 : vector<16xi32>
    %gather3A_591 = tpu.vector_load_idx %arg7[%add3A_590] : memref<32000xf32, #tpu.memory_space<vmem>>[vector<16xi32>], vector<16xf32>,
    %add3A_592 = arith.constant 16000 : i32
    %add3A_593 = vector.broadcast %add3A_592 : i32 to vector<16xi32>
    %add3A_594 = arith.addi %convert_element_type3A_580, %add3A_593 : vector<16xi32>
    %gather3A_595 = tpu.vector_load_idx %arg7[%add3A_594] : memref<32000xf32, #tpu.memory_space<vmem>>[vector<16xi32>], vector<16xf32>,
    %add3A_596 = arith.constant 24000 : i32
    %add3A_597 = vector.broadcast %add3A_596 : i32 to vector<16xi32>
    %add3A_598 = arith.addi %convert_element_type3A_580, %add3A_597 : vector<16xi32>
    %gather3A_599 = tpu.vector_load_idx %arg7[%add3A_598] : memref<32000xf32, #tpu.memory_space<vmem>>[vector<16xi32>], vector<16xf32>,
    %add3A_600 = arith.constant 16000 : i32
    %add3A_601 = vector.broadcast %add3A_600 : i32 to vector<16xi32>
    %add3A_602 = arith.addi %max3A_586, %add3A_601 : vector<16xi32>
    %gather3A_603 = tpu.vector_load_idx %arg7[%add3A_602] : memref<32000xf32, #tpu.memory_space<vmem>>[vector<16xi32>], vector<16xf32>,
    %add3A_604 = arith.constant 24000 : i32
    %add3A_605 = vector.broadcast %add3A_604 : i32 to vector<16xi32>
    %add3A_606 = arith.addi %max3A_586, %add3A_605 : vector<16xi32>
    %gather3A_607 = tpu.vector_load_idx %arg7[%add3A_606] : memref<32000xf32, #tpu.memory_space<vmem>>[vector<16xi32>], vector<16xf32>,
    %gather3A_608 = tpu.vector_load_idx %arg8[%convert_element_type3A_580] : memref<8000xi32, #tpu.memory_space<vmem>>[vector<16xi32>], vector<16xi32>,
    %gather3A_609 = tpu.vector_load_idx %arg8[%max3A_586] : memref<8000xi32, #tpu.memory_space<vmem>>[vector<16xi32>], vector<16xi32>,
    %sub3A_610 = arith.subf %gather3A_567, %gather3A_587 : vector<16xf32>
    %sub3A_611 = arith.subf %gather3A_571, %gather3A_591 : vector<16xf32>
    %mul3A_612 = arith.mulf %sub3A_610, %gather3A_599 : vector<16xf32>
    %mul3A_613 = arith.mulf %sub3A_611, %gather3A_595 : vector<16xf32>
    %sub3A_614 = arith.subf %mul3A_612, %mul3A_613 : vector<16xf32>
    %mul3A_615 = arith.mulf %sub3A_610, %gather3A_607 : vector<16xf32>
    %mul3A_616 = arith.mulf %sub3A_611, %gather3A_603 : vector<16xf32>
    %sub3A_617 = arith.subf %mul3A_615, %mul3A_616 : vector<16xf32>
    %eq3A_618 = arith.cmpi eq, %gather3A_608, %gather3A_609 : vector<16xi32>
    %lt3A_619 = arith.cmpf olt, %sub3A_617, %sub3A_614 : vector<16xf32>
    %and3A_620 = arith.andi %eq3A_618, %lt3A_619 : vector<16xi1>
    %select_n3A_621 = arith.select %and3A_620, %sub3A_617, %sub3A_614 : vector<16xi1>, vector<16xf32>
    %sign3A_622 = tpu.bitcast %select_n3A_621 : vector<16xf32> -> vector<16xi32>
    %sign3A_623 = arith.constant -2147483648 : i32
    %sign3A_624 = vector.broadcast %sign3A_623 : i32 to vector<16xi32>
    %sign3A_625 = arith.andi %sign3A_622, %sign3A_624 : vector<16xi32>
    %sign3A_626 = arith.constant 1065353216 : i32
    %sign3A_627 = vector.broadcast %sign3A_626 : i32 to vector<16xi32>
    %sign3A_628 = arith.ori %sign3A_627, %sign3A_625 : vector<16xi32>
    %sign3A_629 = tpu.bitcast %sign3A_628 : vector<16xi32> -> vector<16xf32>
    %sign3A_630 = math.absf %select_n3A_621 : vector<16xf32>
    %sign3A_631 = arith.constant 0.000000e+00 : f32
    %sign3A_632 = vector.broadcast %sign3A_631 : f32 to vector<16xf32>
    %sign3A_633 = arith.cmpf ogt, %sign3A_630, %sign3A_632 : vector<16xf32>
    %sign3A_634 = arith.select %sign3A_633, %sign3A_629, %select_n3A_621 : vector<16xi1>, vector<16xf32>
    %eq3A_635 = arith.constant 0.000000e+00 : f32
    %eq3A_636 = vector.broadcast %eq3A_635 : f32 to vector<16xf32>
    %eq3A_637 = arith.cmpf oeq, %sign3A_634, %eq3A_636 : vector<16xf32>
    %jit3A_638 = arith.constant 1.000000e+00 : f32
    %broadcast_in_dim3A_639 = vector.broadcast %jit3A_638 : f32 to vector<16xf32>
    %select_n3A_640 = arith.select %eq3A_637, %broadcast_in_dim3A_639, %sign3A_634 : vector<16xi1>, vector<16xf32>
    %mul3A_641 = arith.mulf %select_n3A_640, %gather3A_575 : vector<16xf32>
    %swap3A_642 = arith.constant 112 : index
    %swap3A_643 = tpu.vector_load %arg9[%swap3A_642] {strides = array<i32>} : memref<128xf32, #tpu.memory_space<vmem>>, vector<16xf32>,
    tpu.vector_store %arg9[%swap3A_642], %mul3A_641 {strides = array<i32>} : memref<128xf32, #tpu.memory_space<vmem>>, vector<16xf32>,
    %iota3A_644 = tpu.iota {dimensions = array<i32: 0>} : vector<16xi32>
    %mul3A_645 = arith.constant 4 : i32
    %mul3A_646 = vector.broadcast %mul3A_645 : i32 to vector<16xi32>
    %mul3A_647 = arith.muli %mul3A_646, %iota3A_644 : vector<16xi32>
    %add3A_648 = arith.constant 0 : i32
    %add3A_649 = vector.broadcast %add3A_648 : i32 to vector<16xi32>
    %add3A_650 = arith.addi %add3A_649, %mul3A_647 : vector<16xi32>
    %gather3A_651 = tpu.vector_load_idx %arg9[%add3A_650] : memref<128xf32, #tpu.memory_space<vmem>>[vector<16xi32>], vector<16xf32>,
    %add3A_652 = arith.constant 1 : i32
    %add3A_653 = vector.broadcast %add3A_652 : i32 to vector<16xi32>
    %add3A_654 = arith.addi %add3A_650, %add3A_653 : vector<16xi32>
    %gather3A_655 = tpu.vector_load_idx %arg9[%add3A_654] : memref<128xf32, #tpu.memory_space<vmem>>[vector<16xi32>], vector<16xf32>,
    %max3A_656 = arith.maximumf %gather3A_651, %gather3A_655 : vector<16xf32>
    %add3A_657 = arith.constant 2 : i32
    %add3A_658 = vector.broadcast %add3A_657 : i32 to vector<16xi32>
    %add3A_659 = arith.addi %add3A_650, %add3A_658 : vector<16xi32>
    %gather3A_660 = tpu.vector_load_idx %arg9[%add3A_659] : memref<128xf32, #tpu.memory_space<vmem>>[vector<16xi32>], vector<16xf32>,
    %max3A_661 = arith.maximumf %max3A_656, %gather3A_660 : vector<16xf32>
    %add3A_662 = arith.constant 3 : i32
    %add3A_663 = vector.broadcast %add3A_662 : i32 to vector<16xi32>
    %add3A_664 = arith.addi %add3A_650, %add3A_663 : vector<16xi32>
    %gather3A_665 = tpu.vector_load_idx %arg9[%add3A_664] : memref<128xf32, #tpu.memory_space<vmem>>[vector<16xi32>], vector<16xf32>,
    %max3A_666 = arith.maximumf %max3A_661, %gather3A_665 : vector<16xf32>
    %swap3A_667 = arith.constant 0 : index
    %swap3A_668 = tpu.vector_load %arg10[%swap3A_667] {strides = array<i32>} : memref<32xf32, #tpu.memory_space<vmem>>, vector<16xf32>,
    tpu.vector_store %arg10[%swap3A_667], %max3A_666 {strides = array<i32>} : memref<32xf32, #tpu.memory_space<vmem>>, vector<16xf32>,
    %mul3A_669 = arith.constant 4 : i32
    %mul3A_670 = vector.broadcast %mul3A_669 : i32 to vector<16xi32>
    %mul3A_671 = arith.muli %mul3A_670, %iota3A_644 : vector<16xi32>
    %add3A_672 = arith.constant 64 : i32
    %add3A_673 = vector.broadcast %add3A_672 : i32 to vector<16xi32>
    %add3A_674 = arith.addi %add3A_673, %mul3A_671 : vector<16xi32>
    %gather3A_675 = tpu.vector_load_idx %arg9[%add3A_674] : memref<128xf32, #tpu.memory_space<vmem>>[vector<16xi32>], vector<16xf32>,
    %add3A_676 = arith.constant 1 : i32
    %add3A_677 = vector.broadcast %add3A_676 : i32 to vector<16xi32>
    %add3A_678 = arith.addi %add3A_674, %add3A_677 : vector<16xi32>
    %gather3A_679 = tpu.vector_load_idx %arg9[%add3A_678] : memref<128xf32, #tpu.memory_space<vmem>>[vector<16xi32>], vector<16xf32>,
    %max3A_680 = arith.maximumf %gather3A_675, %gather3A_679 : vector<16xf32>
    %add3A_681 = arith.constant 2 : i32
    %add3A_682 = vector.broadcast %add3A_681 : i32 to vector<16xi32>
    %add3A_683 = arith.addi %add3A_674, %add3A_682 : vector<16xi32>
    %gather3A_684 = tpu.vector_load_idx %arg9[%add3A_683] : memref<128xf32, #tpu.memory_space<vmem>>[vector<16xi32>], vector<16xf32>,
    %max3A_685 = arith.maximumf %max3A_680, %gather3A_684 : vector<16xf32>
    %add3A_686 = arith.constant 3 : i32
    %add3A_687 = vector.broadcast %add3A_686 : i32 to vector<16xi32>
    %add3A_688 = arith.addi %add3A_674, %add3A_687 : vector<16xi32>
    %gather3A_689 = tpu.vector_load_idx %arg9[%add3A_688] : memref<128xf32, #tpu.memory_space<vmem>>[vector<16xi32>], vector<16xf32>,
    %max3A_690 = arith.maximumf %max3A_685, %gather3A_689 : vector<16xf32>
    %swap3A_691 = arith.constant 16 : index
    %swap3A_692 = tpu.vector_load %arg10[%swap3A_691] {strides = array<i32>} : memref<32xf32, #tpu.memory_space<vmem>>, vector<16xf32>,
    tpu.vector_store %arg10[%swap3A_691], %max3A_690 {strides = array<i32>} : memref<32xf32, #tpu.memory_space<vmem>>, vector<16xf32>,
    %mul3A_693 = arith.constant 32 : i32
    %mul3A_694 = arith.muli %add3A, %mul3A_693 : i32
    "tpu.region"() ({
      %run_scoped3A = tpu.sem_alloc : memref<!tpu.dma_semaphore, #tpu.memory_space<semaphore_mem>>
      %dma_start3A_695 = tpu.memref_slice %arg5[%mul3A_694] : memref<1024xf32, #tpu.memory_space<hbm>> -> memref<32xf32, #tpu.memory_space<hbm>>
      %dma_start3A_696 = tpu.memref_slice %arg5[%mul3A_694] : memref<1024xf32, #tpu.memory_space<hbm>> -> memref<32xf32, #tpu.memory_space<hbm>>
      tpu.enqueue_dma source(%arg10 : memref<32xf32, #tpu.memory_space<vmem>>) target(%dma_start3A_696 : memref<32xf32, #tpu.memory_space<hbm>>) target_semaphore(%run_scoped3A : memref<!tpu.dma_semaphore, #tpu.memory_space<semaphore_mem>>)
      %dma_wait3A_697 = tpu.memref_slice %arg5[%mul3A_694] : memref<1024xf32, #tpu.memory_space<hbm>> -> memref<32xf32, #tpu.memory_space<hbm>>
      %dma_wait3A_698 = tpu.memref_slice %arg5[%mul3A_694] : memref<1024xf32, #tpu.memory_space<hbm>> -> memref<32xf32, #tpu.memory_space<hbm>>
      tpu.wait_dma2 semaphore(%run_scoped3A : memref<!tpu.dma_semaphore, #tpu.memory_space<semaphore_mem>>) src(%arg10 : memref<32xf32, #tpu.memory_space<vmem>>) dst(%dma_wait3A_698 : memref<32xf32, #tpu.memory_space<hbm>>)
      tpu.yield
    }) : () -> ()
    return
  }
}

module attributes {stable_mosaic.version = 14 : i64} {
  func.func @_tc_body(%arg0: i32, %arg1: memref<256x8xf32, #tpu.memory_space<vmem>>, %arg2: memref<2x8064xf32, #tpu.memory_space<vmem>>, %arg3: memref<256x16xf32, #tpu.memory_space<vmem>>) attributes {dimension_semantics = [#tpu.dimension_semantics<arbitrary>], iteration_bounds = array<i64: 4>, scalar_prefetch = 0 : i64, scratch_operands = 0 : i64, tpu.core_type = #tpu.core_type<tc>, window_params = [{transform_indices = @transform_0, window_bounds = array<i64: 256, 8>}, {pipeline_mode = #tpu.pipeline_mode<synchronous>, transform_indices = @transform_1, window_bounds = array<i64: 2, 8064>}, {transform_indices = @transform_2, window_bounds = array<i64: 256, 16>}]} {
    %get3A = arith.constant 0 : index
    %get3A_0 = arith.constant 0 : index
    %get3A_1 = vector.load %arg1[%get3A, %get3A_0] : memref<256x8xf32, #tpu.memory_space<vmem>>, vector<256x1xf32>
    %get3A_2 = arith.constant 0 : index
    %get3A_3 = arith.constant 1 : index
    %get3A_4 = vector.load %arg1[%get3A_2, %get3A_3] : memref<256x8xf32, #tpu.memory_space<vmem>>, vector<256x1xf32>
    %get3A_5 = arith.constant 0 : index
    %get3A_6 = arith.constant 2 : index
    %get3A_7 = vector.load %arg1[%get3A_5, %get3A_6] : memref<256x8xf32, #tpu.memory_space<vmem>>, vector<256x1xf32>
    %get3A_8 = arith.constant 0 : index
    %get3A_9 = arith.constant 3 : index
    %get3A_10 = vector.load %arg1[%get3A_8, %get3A_9] : memref<256x8xf32, #tpu.memory_space<vmem>>, vector<256x1xf32>
    %get3A_11 = arith.constant 0 : index
    %get3A_12 = arith.constant 4 : index
    %get3A_13 = vector.load %arg1[%get3A_11, %get3A_12] : memref<256x8xf32, #tpu.memory_space<vmem>>, vector<256x1xf32>
    %cos3A = math.cos %get3A_13 : vector<256x1xf32>
    %sin3A = math.sin %get3A_13 : vector<256x1xf32>
    %div3A = arith.constant 2.000000e+00 : f32
    %div3A_14 = vector.broadcast %div3A : f32 to vector<256x1xf32>
    %div3A_15 = arith.divf %get3A_7, %div3A_14 : vector<256x1xf32>
    %mul3A = arith.mulf %div3A_15, %cos3A : vector<256x1xf32>
    %div3A_16 = arith.constant 2.000000e+00 : f32
    %div3A_17 = vector.broadcast %div3A_16 : f32 to vector<256x1xf32>
    %div3A_18 = arith.divf %get3A_7, %div3A_17 : vector<256x1xf32>
    %mul3A_19 = arith.mulf %div3A_18, %sin3A : vector<256x1xf32>
    %div3A_20 = arith.constant 2.000000e+00 : f32
    %div3A_21 = vector.broadcast %div3A_20 : f32 to vector<256x1xf32>
    %div3A_22 = arith.divf %get3A_10, %div3A_21 : vector<256x1xf32>
    %mul3A_23 = arith.mulf %div3A_22, %cos3A : vector<256x1xf32>
    %div3A_24 = arith.constant 2.000000e+00 : f32
    %div3A_25 = vector.broadcast %div3A_24 : f32 to vector<256x1xf32>
    %div3A_26 = arith.divf %get3A_10, %div3A_25 : vector<256x1xf32>
    %mul3A_27 = arith.mulf %div3A_26, %sin3A : vector<256x1xf32>
    %add3A = arith.addf %mul3A, %mul3A_27 : vector<256x1xf32>
    %sub3A = arith.subf %mul3A, %mul3A_27 : vector<256x1xf32>
    %neg3A = arith.constant 0.000000e+00 : f32
    %neg3A_28 = vector.broadcast %neg3A : f32 to vector<256x1xf32>
    %neg3A_29 = arith.subf %neg3A_28, %mul3A : vector<256x1xf32>
    %sub3A_30 = arith.subf %neg3A_29, %mul3A_27 : vector<256x1xf32>
    %neg3A_31 = arith.constant 0.000000e+00 : f32
    %neg3A_32 = vector.broadcast %neg3A_31 : f32 to vector<256x1xf32>
    %neg3A_33 = arith.subf %neg3A_32, %mul3A : vector<256x1xf32>
    %add3A_34 = arith.addf %neg3A_33, %mul3A_27 : vector<256x1xf32>
    %sub3A_35 = arith.subf %mul3A_19, %mul3A_23 : vector<256x1xf32>
    %add3A_36 = arith.addf %mul3A_19, %mul3A_23 : vector<256x1xf32>
    %neg3A_37 = arith.constant 0.000000e+00 : f32
    %neg3A_38 = vector.broadcast %neg3A_37 : f32 to vector<256x1xf32>
    %neg3A_39 = arith.subf %neg3A_38, %mul3A_19 : vector<256x1xf32>
    %add3A_40 = arith.addf %neg3A_39, %mul3A_23 : vector<256x1xf32>
    %neg3A_41 = arith.constant 0.000000e+00 : f32
    %neg3A_42 = vector.broadcast %neg3A_41 : f32 to vector<256x1xf32>
    %neg3A_43 = arith.subf %neg3A_42, %mul3A_19 : vector<256x1xf32>
    %sub3A_44 = arith.subf %neg3A_43, %mul3A_23 : vector<256x1xf32>
    %get3A_45 = arith.constant 0 : index
    %get3A_46 = arith.constant 0 : index
    %get3A_47 = vector.load %arg2[%get3A_45, %get3A_46] : memref<2x8064xf32, #tpu.memory_space<vmem>>, vector<1x8064xf32>
    %get3A_48 = arith.constant 1 : index
    %get3A_49 = arith.constant 0 : index
    %get3A_50 = vector.load %arg2[%get3A_48, %get3A_49] : memref<2x8064xf32, #tpu.memory_space<vmem>>, vector<1x8064xf32>
    %iota3A = tpu.iota {dimensions = array<i32: 1>} : vector<256x8064xi32>
    %convert_element_type3A = arith.sitofp %iota3A : vector<256x8064xi32> to vector<256x8064xf32>
    %add3A_51 = arith.addf %add3A, %get3A_1 : vector<256x1xf32>
    %add3A_52 = arith.addf %sub3A_35, %get3A_4 : vector<256x1xf32>
    %sub3A_53 = vector.broadcast %add3A_51 : vector<256x1xf32> to vector<256x8064xf32>
    %sub3A_54 = vector.broadcast %get3A_47 : vector<1x8064xf32> to vector<256x8064xf32>
    %sub3A_55 = arith.subf %sub3A_53, %sub3A_54 : vector<256x8064xf32>
    %integer_pow3A = arith.mulf %sub3A_55, %sub3A_55 : vector<256x8064xf32>
    %sub3A_56 = vector.broadcast %add3A_52 : vector<256x1xf32> to vector<256x8064xf32>
    %sub3A_57 = vector.broadcast %get3A_50 : vector<1x8064xf32> to vector<256x8064xf32>
    %sub3A_58 = arith.subf %sub3A_56, %sub3A_57 : vector<256x8064xf32>
    %integer_pow3A_59 = arith.mulf %sub3A_58, %sub3A_58 : vector<256x8064xf32>
    %add3A_60 = arith.addf %integer_pow3A, %integer_pow3A_59 : vector<256x8064xf32>
    %reduce_min3A = arith.constant dense<0x7F800000> : vector<256xf32>
    %reduce_min3A_61 = vector.multi_reduction <minimumf>, %add3A_60, %reduce_min3A [1] : vector<256x8064xf32> to vector<256xf32>
    %broadcast_in_dim3A = vector.shape_cast %reduce_min3A_61 : vector<256xf32> to vector<256x1xf32>
    %eq3A = vector.broadcast %broadcast_in_dim3A : vector<256x1xf32> to vector<256x8064xf32>
    %eq3A_62 = arith.cmpf oeq, %add3A_60, %eq3A : vector<256x8064xf32>
    %jit3A = arith.constant 1.000000e+09 : f32
    %broadcast_in_dim3A_63 = vector.broadcast %jit3A : f32 to vector<256x8064xf32>
    %select_n3A = arith.select %eq3A_62, %convert_element_type3A, %broadcast_in_dim3A_63 : vector<256x8064xi1>, vector<256x8064xf32>
    %reduce_min3A_64 = arith.constant dense<0x7F800000> : vector<256xf32>
    %reduce_min3A_65 = vector.multi_reduction <minimumf>, %select_n3A, %reduce_min3A_64 [1] : vector<256x8064xf32> to vector<256xf32>
    %broadcast_in_dim3A_66 = vector.shape_cast %reduce_min3A_65 : vector<256xf32> to vector<256x1xf32>
    %sqrt3A = math.sqrt %broadcast_in_dim3A : vector<256x1xf32>
    %add3A_67 = arith.addf %sub3A, %get3A_1 : vector<256x1xf32>
    %add3A_68 = arith.addf %add3A_36, %get3A_4 : vector<256x1xf32>
    %sub3A_69 = vector.broadcast %add3A_67 : vector<256x1xf32> to vector<256x8064xf32>
    %sub3A_70 = vector.broadcast %get3A_47 : vector<1x8064xf32> to vector<256x8064xf32>
    %sub3A_71 = arith.subf %sub3A_69, %sub3A_70 : vector<256x8064xf32>
    %integer_pow3A_72 = arith.mulf %sub3A_71, %sub3A_71 : vector<256x8064xf32>
    %sub3A_73 = vector.broadcast %add3A_68 : vector<256x1xf32> to vector<256x8064xf32>
    %sub3A_74 = vector.broadcast %get3A_50 : vector<1x8064xf32> to vector<256x8064xf32>
    %sub3A_75 = arith.subf %sub3A_73, %sub3A_74 : vector<256x8064xf32>
    %integer_pow3A_76 = arith.mulf %sub3A_75, %sub3A_75 : vector<256x8064xf32>
    %add3A_77 = arith.addf %integer_pow3A_72, %integer_pow3A_76 : vector<256x8064xf32>
    %reduce_min3A_78 = arith.constant dense<0x7F800000> : vector<256xf32>
    %reduce_min3A_79 = vector.multi_reduction <minimumf>, %add3A_77, %reduce_min3A_78 [1] : vector<256x8064xf32> to vector<256xf32>
    %broadcast_in_dim3A_80 = vector.shape_cast %reduce_min3A_79 : vector<256xf32> to vector<256x1xf32>
    %eq3A_81 = vector.broadcast %broadcast_in_dim3A_80 : vector<256x1xf32> to vector<256x8064xf32>
    %eq3A_82 = arith.cmpf oeq, %add3A_77, %eq3A_81 : vector<256x8064xf32>
    %jit3A_83 = arith.constant 1.000000e+09 : f32
    %broadcast_in_dim3A_84 = vector.broadcast %jit3A_83 : f32 to vector<256x8064xf32>
    %select_n3A_85 = arith.select %eq3A_82, %convert_element_type3A, %broadcast_in_dim3A_84 : vector<256x8064xi1>, vector<256x8064xf32>
    %reduce_min3A_86 = arith.constant dense<0x7F800000> : vector<256xf32>
    %reduce_min3A_87 = vector.multi_reduction <minimumf>, %select_n3A_85, %reduce_min3A_86 [1] : vector<256x8064xf32> to vector<256xf32>
    %broadcast_in_dim3A_88 = vector.shape_cast %reduce_min3A_87 : vector<256xf32> to vector<256x1xf32>
    %sqrt3A_89 = math.sqrt %broadcast_in_dim3A_80 : vector<256x1xf32>
    %add3A_90 = arith.addf %sub3A_30, %get3A_1 : vector<256x1xf32>
    %add3A_91 = arith.addf %add3A_40, %get3A_4 : vector<256x1xf32>
    %sub3A_92 = vector.broadcast %add3A_90 : vector<256x1xf32> to vector<256x8064xf32>
    %sub3A_93 = vector.broadcast %get3A_47 : vector<1x8064xf32> to vector<256x8064xf32>
    %sub3A_94 = arith.subf %sub3A_92, %sub3A_93 : vector<256x8064xf32>
    %integer_pow3A_95 = arith.mulf %sub3A_94, %sub3A_94 : vector<256x8064xf32>
    %sub3A_96 = vector.broadcast %add3A_91 : vector<256x1xf32> to vector<256x8064xf32>
    %sub3A_97 = vector.broadcast %get3A_50 : vector<1x8064xf32> to vector<256x8064xf32>
    %sub3A_98 = arith.subf %sub3A_96, %sub3A_97 : vector<256x8064xf32>
    %integer_pow3A_99 = arith.mulf %sub3A_98, %sub3A_98 : vector<256x8064xf32>
    %add3A_100 = arith.addf %integer_pow3A_95, %integer_pow3A_99 : vector<256x8064xf32>
    %reduce_min3A_101 = arith.constant dense<0x7F800000> : vector<256xf32>
    %reduce_min3A_102 = vector.multi_reduction <minimumf>, %add3A_100, %reduce_min3A_101 [1] : vector<256x8064xf32> to vector<256xf32>
    %broadcast_in_dim3A_103 = vector.shape_cast %reduce_min3A_102 : vector<256xf32> to vector<256x1xf32>
    %eq3A_104 = vector.broadcast %broadcast_in_dim3A_103 : vector<256x1xf32> to vector<256x8064xf32>
    %eq3A_105 = arith.cmpf oeq, %add3A_100, %eq3A_104 : vector<256x8064xf32>
    %jit3A_106 = arith.constant 1.000000e+09 : f32
    %broadcast_in_dim3A_107 = vector.broadcast %jit3A_106 : f32 to vector<256x8064xf32>
    %select_n3A_108 = arith.select %eq3A_105, %convert_element_type3A, %broadcast_in_dim3A_107 : vector<256x8064xi1>, vector<256x8064xf32>
    %reduce_min3A_109 = arith.constant dense<0x7F800000> : vector<256xf32>
    %reduce_min3A_110 = vector.multi_reduction <minimumf>, %select_n3A_108, %reduce_min3A_109 [1] : vector<256x8064xf32> to vector<256xf32>
    %broadcast_in_dim3A_111 = vector.shape_cast %reduce_min3A_110 : vector<256xf32> to vector<256x1xf32>
    %sqrt3A_112 = math.sqrt %broadcast_in_dim3A_103 : vector<256x1xf32>
    %add3A_113 = arith.addf %add3A_34, %get3A_1 : vector<256x1xf32>
    %add3A_114 = arith.addf %sub3A_44, %get3A_4 : vector<256x1xf32>
    %sub3A_115 = vector.broadcast %add3A_113 : vector<256x1xf32> to vector<256x8064xf32>
    %sub3A_116 = vector.broadcast %get3A_47 : vector<1x8064xf32> to vector<256x8064xf32>
    %sub3A_117 = arith.subf %sub3A_115, %sub3A_116 : vector<256x8064xf32>
    %integer_pow3A_118 = arith.mulf %sub3A_117, %sub3A_117 : vector<256x8064xf32>
    %sub3A_119 = vector.broadcast %add3A_114 : vector<256x1xf32> to vector<256x8064xf32>
    %sub3A_120 = vector.broadcast %get3A_50 : vector<1x8064xf32> to vector<256x8064xf32>
    %sub3A_121 = arith.subf %sub3A_119, %sub3A_120 : vector<256x8064xf32>
    %integer_pow3A_122 = arith.mulf %sub3A_121, %sub3A_121 : vector<256x8064xf32>
    %add3A_123 = arith.addf %integer_pow3A_118, %integer_pow3A_122 : vector<256x8064xf32>
    %reduce_min3A_124 = arith.constant dense<0x7F800000> : vector<256xf32>
    %reduce_min3A_125 = vector.multi_reduction <minimumf>, %add3A_123, %reduce_min3A_124 [1] : vector<256x8064xf32> to vector<256xf32>
    %broadcast_in_dim3A_126 = vector.shape_cast %reduce_min3A_125 : vector<256xf32> to vector<256x1xf32>
    %eq3A_127 = vector.broadcast %broadcast_in_dim3A_126 : vector<256x1xf32> to vector<256x8064xf32>
    %eq3A_128 = arith.cmpf oeq, %add3A_123, %eq3A_127 : vector<256x8064xf32>
    %jit3A_129 = arith.constant 1.000000e+09 : f32
    %broadcast_in_dim3A_130 = vector.broadcast %jit3A_129 : f32 to vector<256x8064xf32>
    %select_n3A_131 = arith.select %eq3A_128, %convert_element_type3A, %broadcast_in_dim3A_130 : vector<256x8064xi1>, vector<256x8064xf32>
    %reduce_min3A_132 = arith.constant dense<0x7F800000> : vector<256xf32>
    %reduce_min3A_133 = vector.multi_reduction <minimumf>, %select_n3A_131, %reduce_min3A_132 [1] : vector<256x8064xf32> to vector<256xf32>
    %broadcast_in_dim3A_134 = vector.shape_cast %reduce_min3A_133 : vector<256xf32> to vector<256x1xf32>
    %sqrt3A_135 = math.sqrt %broadcast_in_dim3A_126 : vector<256x1xf32>
    %concatenate3A = tpu.concatenate %add3A_51, %add3A_67, %add3A_90, %add3A_113, %add3A_52, %add3A_68, %add3A_91, %add3A_114, %sqrt3A, %sqrt3A_89, %sqrt3A_112, %sqrt3A_135, %broadcast_in_dim3A_66, %broadcast_in_dim3A_88, %broadcast_in_dim3A_111, %broadcast_in_dim3A_134 in 1 : vector<256x1xf32>, vector<256x1xf32>, vector<256x1xf32>, vector<256x1xf32>, vector<256x1xf32>, vector<256x1xf32>, vector<256x1xf32>, vector<256x1xf32>, vector<256x1xf32>, vector<256x1xf32>, vector<256x1xf32>, vector<256x1xf32>, vector<256x1xf32>, vector<256x1xf32>, vector<256x1xf32>, vector<256x1xf32> -> vector<256x16xf32>
    %swap3A = arith.constant 0 : index
    %swap3A_136 = arith.constant 0 : index
    %swap3A_137 = vector.load %arg3[%swap3A, %swap3A_136] : memref<256x16xf32, #tpu.memory_space<vmem>>, vector<256x16xf32>
    tpu.vector_store %arg3[%swap3A, %swap3A_136], %concatenate3A {strides = array<i32>} : memref<256x16xf32, #tpu.memory_space<vmem>>, vector<256x16xf32>,
    return
  }
  func.func @transform_0(%arg0: i32) -> (i32, i32) {
    %c0_i32 = arith.constant 0 : i32
    %c0_i32_0 = arith.constant 0 : i32
    return %arg0, %c0_i32 : i32, i32
  }
  func.func @transform_1(%arg0: i32) -> (i32, i32) {
    %c0_i32 = arith.constant 0 : i32
    %c0_i32_0 = arith.constant 0 : i32
    %c0_i32_1 = arith.constant 0 : i32
    return %c0_i32, %c0_i32_0 : i32, i32
  }
  func.func @transform_2(%arg0: i32) -> (i32, i32) {
    %c0_i32 = arith.constant 0 : i32
    %c0_i32_0 = arith.constant 0 : i32
    return %arg0, %c0_i32 : i32, i32
  }
}

</mosaic_0001>

<sc_bundles>
// kernel: kernel.4.cloned.1.call-start
scs
__scs_entry_jumppad:
0x0: {  	(pc) =	sbr.rel $0x88, $3  }
0x1: {  	(tag) =	ssettag $0x0;
	lr =	simm.s32 $0x1  }
0x2: {  	[smem:$0x3F9B] =	sst lr;
	_ =	strace $0xD0000000  }
0x3: {  	_ = 	snop  }
0x4: {  	_ = 	snop  }
0x5: {  	_ = 	snop  }
0x6: {  	_ = 	snop  }
0x7: {  	_ = 	snop  }
__scs_overlays_trampoline_lowered:
0x8: {  	[smem:$0x3FAA] =	sst s0  }
0x9: {  	[smem:$0x3FAB] =	sst s1  }
0xa: {  	[smem:$0x3FAC] =	sst s2  }
0xb: {  	[smem:$0x3FAD] =	sst s3  }
0xc: {  	[smem:$0x3FAE] =	sst s4  }
0xd: {  	[smem:$0x3FAF] =	sst s5  }
0xe: {  	[smem:$0x3FB0] =	sst s6  }
0xf: {  	[smem:$0x3FB1] =	sst s7  }
0x10: {  	[smem:$0x3FB2] =	sst s8  }
0x11: {  	[smem:$0x3FB3] =	sst s9;
	s0 =	simm.s32 @!p0 $0x0  }
0x12: {  	s1 =	sld [smem:$0x3F99];
	s0 =	simm.s32 @p0 $0x1  }
0x13: {  	[smem:$0x3FB4] =	sst s0;
	s0 =	simm.s32 @!p1 $0x0  }
0x14: {  	s2 =	sld [smem:$0x3F98];
	s0 =	simm.s32 @p1 $0x1  }
0x15: {  	[smem:$0x3FB5] =	sst s0;
	s0 =	simm.s32 @!p2 $0x0  }
0x16: {  	s3 =	sld [smem:$0x3FDB];
	s0 =	simm.s32 @p2 $0x1  }
0x17: {  	s4 =	simm.s32 $0x1BF5;
	[smem:$0x3FB7] =	sst s0  }
0x18: {  	s0 =	sld [smem:$0x3F9A];
	_ =	swait.ge [sflag:s4], $0x0  }
0x19: {  	s7 =	sld [smem:$0x3F9B]  }
0x1a: {  	s8 =	sadd.s32 $0xFFFFE003, lr  }
0x1b: {  	s9 =	sadd.s32 $0xFFFFFEF7, lr;
	s5 =	simm.s32 $0xFFFFFFFF;
	p2 =	slt.u32 s8, $0xFFFFF086  }
0x1c: {  	p1 =	slt.u32 s9, $0xF7A;
	s5 =	simm.s32 @!p2 $0x0  }
0x1d: {  	s5 =	simm.s32 @p1 $0x1;
	p0 =	seq.s32 s7, s2  }
0x1e: {  	s7 =	smul.u32 @!p0 $0xF7A, s2;
	p2 =	seq.s32 @!p0 s5, $0x0  }
0x1f: {  	s9 =	smul.u32 $0xF7A, s1;
	s8 =	simm.s32 @!p0 $0x1BF5;
	p2 =	por !p2, p0  }
0x20: {  	[sflag:s8] =	ssyncset.s32 @!p0 $0xFFFFF086;
	s6 =	sadd.s32 @!p0 s3, s7;
	s7 =	simm.s32 @!p0 $0x108  }
0x21: {  	s3 =	sadd.s32 s3, s9;
	s6 =	sadd.s32 @!p0 $0x88, s6;
	s7 =	simm.s32 @p2 $0x1082  }
0x22: {  	[simem:s7], [sflag:s8] =	dma.local @!p0 [hbm:s6], $0xF7A  }
0x23: {  	s9 =	sor.u32 $0xD0000000, s2;
	s6 =	simm.s32 $0x108;
	_ =	swait.ge @!p0 [sflag:s8], $0x0  }
0x24: {  	s3 =	sadd.s32 $0x88, s3;
	s6 =	simm.s32 @!p1 $0x1082;
	[sflag:s4] =	ssyncset.s32 $0xFFFFF086  }
0x25: {  	[simem:s6], [sflag:s4] =	dma.local [hbm:s3], $0xF7A  }
0x26: {  	[smem:$0x3F9B] =	sst s1;
	(tag) =	ssettag s2;
	_ =	strace s9  }
0x27: {  	s1 =	sld [smem:$0x3FAB]  }
0x28: {  	s2 =	sld [smem:$0x3FAC]  }
0x29: {  	s4 =	sld [smem:$0x3FAE]  }
0x2a: {  	p0 =	seq.s32 s5, $0x0;
	s5 =	sld [smem:$0x3FAF]  }
0x2b: {  	s6 =	sld [smem:$0x3FB0]  }
0x2c: {  	s7 =	sld [smem:$0x3FB1]  }
0x2d: {  	s3 =	simm.s32 $0x108;
	s8 =	sld [smem:$0x3FB2]  }
0x2e: {  	s3 =	simm.s32 @!p0 $0x1082;
	s9 =	sld [smem:$0x3FB3]  }
0x2f: {  	lr =	sadd.s32 s0, s3;
	s0 =	sld [smem:$0x3FAA]  }
0x30: {  	s3 =	sld [smem:$0x3FAD]  }
0x31: {  	[smem:$0x3FB6] =	sst s10  }
0x32: {  	s10 =	sld [smem:$0x3FB4];
	_ =	sdelay $0x3  }
0x33: {  	p0 =	seq.s32 s10, $0x1;
	s10 =	sld [smem:$0x3FB6];
	_ =	sdelay $0x3  }
0x34: {  	[smem:$0x3FB6] =	sst s10  }
0x35: {  	s10 =	sld [smem:$0x3FB5];
	_ =	sdelay $0x3  }
0x36: {  	p1 =	seq.s32 s10, $0x1;
	s10 =	sld [smem:$0x3FB6];
	_ =	sdelay $0x3  }
0x37: {  	[smem:$0x3FB6] =	sst s10  }
0x38: {  	s10 =	sld [smem:$0x3FB7]  }
0x39: {  	_ = 	snop;
	(pc) =	sbr.ind lr, $3  }
0x3a: {  	_ = 	snop  }
0x3b: {  	_ = 	snop  }
0x3c: {  	p2 =	seq.s32 s10, $0x1;
	s10 =	sld [smem:$0x3FB6]  }
0x3d: {  	_ =	shalt  }
0x3e: {  	_ =	shalt  }
0x3f: {  	_ =	shalt  }
0x40: {  	_ =	shalt  }
0x41: {  	_ =	shalt  }
0x42: {  	_ =	shalt  }
0x43: {  	_ =	shalt  }
0x44: {  	_ =	shalt  }
0x45: {  	_ =	shalt  }
0x46: {  	_ =	shalt  }
0x47: {  	_ =	shalt  }
0x48: {  	_ =	shalt  }
0x49: {  	_ =	shalt  }
0x4a: {  	_ =	shalt  }
0x4b: {  	_ =	shalt  }
0x4c: {  	_ =	shalt  }
0x4d: {  	_ =	shalt  }
0x4e: {  	_ =	shalt  }
0x4f: {  	_ =	shalt  }
0x50: {  	_ =	shalt  }
0x51: {  	_ =	shalt  }
0x52: {  	_ =	shalt  }
0x53: {  	_ =	shalt  }
0x54: {  	_ =	shalt  }
0x55: {  	_ =	shalt  }
0x56: {  	_ =	shalt  }
0x57: {  	_ =	shalt  }
0x58: {  	_ =	shalt  }
0x59: {  	_ =	shalt  }
0x5a: {  	_ =	shalt  }
0x5b: {  	_ =	shalt  }
0x5c: {  	_ =	shalt  }
0x5d: {  	_ =	shalt  }
0x5e: {  	_ =	shalt  }
0x5f: {  	_ =	shalt  }
0x60: {  	_ =	shalt  }
0x61: {  	_ =	shalt  }
0x62: {  	_ =	shalt  }
0x63: {  	_ =	shalt  }
0x64: {  	_ =	shalt  }
0x65: {  	_ =	shalt  }
0x66: {  	_ =	shalt  }
0x67: {  	_ =	shalt  }
0x68: {  	_ =	shalt  }
0x69: {  	_ =	shalt  }
0x6a: {  	_ =	shalt  }
0x6b: {  	_ =	shalt  }
0x6c: {  	_ =	shalt  }
0x6d: {  	_ =	shalt  }
0x6e: {  	_ =	shalt  }
0x6f: {  	_ =	shalt  }
0x70: {  	_ =	shalt  }
0x71: {  	_ =	shalt  }
0x72: {  	_ =	shalt  }
0x73: {  	_ =	shalt  }
0x74: {  	_ =	shalt  }
0x75: {  	_ =	shalt  }
0x76: {  	_ =	shalt  }
0x77: {  	_ =	shalt  }
0x78: {  	_ =	shalt  }
0x79: {  	_ =	shalt  }
0x7a: {  	_ =	shalt  }
0x7b: {  	_ =	shalt  }
0x7c: {  	_ =	shalt  }
0x7d: {  	_ =	shalt  }
0x7e: {  	_ =	shalt  }
0x7f: {  	_ =	shalt  }
0x80: {  	_ =	shalt  }
0x81: {  	_ =	shalt  }
0x82: {  	_ =	shalt  }
0x83: {  	_ =	shalt  }
0x84: {  	_ =	shalt  }
0x85: {  	_ =	shalt  }
0x86: {  	_ =	shalt  }
0x87: {  	_ =	shalt  }
.Lfunc_end0:
.L_simem_size_0:
called_computation_lowered:
.L_overlay_start_0:
0x88: {  	s2 =	sld [smem:$0x3FD9]  }
0x89: {  	s3 =	sld [smem:$0x3FFE];
	_ =	sdelay $0x1  }
0x8a: {  	s1 =	srdreg.scid  }
0x8b: {  	s0 =	sand.u32 $0x1, s1  }
0x8c: {  	s17 =	sshll.u32 s0, $0xA;
	s2 =	sadd.s32 s3, s2  }
0x8d: {  	s2 =	sadd.s32 s2, s17  }
0x8e: {  	[smem:$0x3FC2] =	sst s2  }
0x8f: {  	_ = 	snop  }
0x90: {  	s2 =	sld [smem:$0x3FC4]  }
0x91: {  	s18 =	sld [smem:$0x3FD0];
	(tm) =	ssettm $0x1  }
0x92: {  	s4 =	sld [smem:$0x3FFB];
	_ =	sdelay $0x3  }
0x93: {  	_ =	strace s4  }
0x94: {  	s4 =	sld [smem:$0x3FFC];
	_ =	sdelay $0x3  }
0x95: {  	_ =	strace s4  }
0x96: {  	s4 =	sld [smem:$0x3FFD];
	_ =	sdelay $0x3  }
0x97: {  	_ =	strace s4  }
0x98: {  	_ =	strace $0x8FFFFFFF  }
0x99: {  	s19 =	sld [smem:$0x3FDB];
	_ =	sdelay $0x1  }
0x9a: {  	s5 =	simm.s32 $_scs_section_size  }
0x9b: {  	s6 =	simm.s32 $_size__tile_overlayer_lowered;
	s7 =	simm.s32 $_tile_overlayer_lowered  }
0x9c: {  	s22 =	simm.s32 $0x1BFF;
	s21 =	sshll.u32 s7, $0x1;
	s4 =	sadd.s32 s5, s19  }
0x9d: {  	s8 =	simm.s32 $0x0;
	s20 =	sshll.u32 s6, $0x1;
	s6 =	sadd.s32 s21, s4  }
0x9e: {  	[timem:s8], [sflag:s22] =	dma.local [hbm:s6], s20  }
0x9f: {  	_ =	swait.ge [sflag:s22], s20  }
0xa0: {  	s5 =	ssub.s32 $0x0, s20;
	[sflag:s22] =	ssyncset.done $0x0  }
0xa1: {  	[sflag:s22] =	ssyncadd.s32 s5;
	_ =	sdelay $0x1  }
0xa2: {  	s23 =	simm.s32 $0x1B8B  }
0xa3: {  	_ =	swait.ge [sflag:s23], $0x1  }
0xa4: {  	[sflag:s23] =	ssyncset.done $0x0  }
0xa5: {  	s25 =	simm.s32 $0x1B8E;
	s24 =	sld [smem:$0x3FFE];
	[sflag:s23] =	ssyncadd.s32 $0xFFFFFFFF  }
0xa6: {  	s26 =	simm.s32 $execute0_lowered;
	[smem:$0x3FD2] =	sst s25  }
0xa7: {  	s6 =	sshll.u32 s26, $0x1;
	_ =	strace $0x80000046;
	[dreg:$0x1] =	wrdreg $0xFFFFFFFF  }
0xa8: {  	s28 =	simm.s32 $_size_execute0_lowered;
	s4 =	sadd.s32 s4, s6;
	[dreg:$0x0] =	wrdreg $0x0  }
0xa9: {  	s6 =	sshll.u32 s28, $0x1;
	[dreg:$0x2] =	wrdreg s4  }
0xaa: {  	[dreg:$0x3] =	wrdreg s6  }
0xab: {  	[dreg:$0x4] =	wrdreg $0xC0  }
0xac: {  	_ =	task [dreg:s8], $0x5FFFF  }
0xad: {  	[dreg:$0x1] =	wrdreg $0xFFFFFFFF  }
0xae: {  	[dreg:$0x0] =	wrdreg $0x60  }
0xaf: {  	[dreg:$0x2] =	wrdreg s24  }
0xb0: {  	[dreg:$0x3] =	wrdreg s2  }
0xb1: {  	[dreg:$0x4] =	wrdreg s18  }
0xb2: {  	[dreg:$0x5] =	wrdreg $0x9  }
0xb3: {  	_ =	task.clear_ibuf [dreg:s8], $0x6FFFF;
	_ =	strace $0x90000046  }
0xb4: {  	s29 =	simm.s32 $0x9;
	_ =	strace $0x80000048  }
0xb5: {  	_ =	swait.ge [sflag:s29], $0x1  }
0xb6: {  	[sflag:s29] =	ssyncadd.s32 $0xFFFFFFFF  }
0xb7: {  	_ =	strace $0x90000048  }
0xb8: {  	_ =	sfence  }
0xb9: {  	s30 =	sld [smem:$0x0];
	_ =	sdelay $0x2  }
0xba: {  	s31 =	sshll.u32 s1, $0xD;
	s1 =	sshrl.u32 s1, $0x2  }
0xbb: {  	s3 =	sand.u32 $0x4000, s31;
	s1 =	sadd.s32 s1, s30  }
0xbc: {  	s0 =	sor.u32 s3, s0;
	s1 =	sshll.u32 s1, $0x11  }
0xbd: {  	s0 =	sor.u32 s1, s0  }
0xbe: {  	s0 =	sadd.s32 $0x8F2B, s0  }
0xbf: {  	[sflag:s0] =	ssyncadd.remote.s32 $0x1  }
0xc0: {  	_ =	sfence.sel $0xFFFF  }
0xc1: {  	[dreg:$0x0] =	wrdreg $0xFFFFFFFF;
	(pc) =	sbr.abs _section_cstart, $3  }
0xc2: {  	[dreg:$0x1] =	wrdreg $0xFFFFFFFF  }
0xc3: {  	_ =	task.clear_ibuf [dreg:s8], $0x2FFFF;
	_ =	strace $0x9FFFFFFF  }
0xc4: {  	(tm) =	ssettm $0x7FFFFFFF  }
0xc5: {  	_ =	shalt  }
tec
execute0_lowered:
.L_overlay_start_1:
0x0: {  	(tag) =	ssettag $0x1  }
0x1: {  	v0 =	vimm.s32 $0x23222120;
	v1 =	vimm.s32 $0x33323130  }
0x2: {  	vm0 =	vcmask $0x1F10;
	v2 =	vimm.s32 $0x13121110;
	v3 =	vimm.s32 $0x27262524  }
0x3: {  	v4 =	vimm.s32 $0x37363534;
	v5 =	vimm.s32 $0x7060504;
	v6 =	vimm.s32 $0x17161514  }
0x4: {  	v7 =	vimm.s32 $0x2B2A2928;
	v8 =	vimm.s32 $0x3B3A3938;
	v9 =	vimm.f32 $1.000000000e+00  }
0x5: {  	v10 =	vimm.s32 $0x77767574;
	v11 =	vimm.s32 $0x4B4A4948;
	v12 =	vimm.s32 $0x5B5A5958  }
0x6: {  	v13 =	vimm.s32 $0x6F6E6D6C;
	v14 =	vimm.s32 $0x7F7E7D7C;
	v15 =	vimm.s32 $0xA7A6A5A4  }
0x7: {  	v16 =	vimm.s32 $0x97969594;
	v17 =	vimm.s32 $0xD3D2D1D0;
	v18 =	vimm.s32 $0xD7D6D5D4  }
0x8: {  	v19 =	vimm.s32 $0xEBEAE9E8;
	v20 =	vimm.s32 $0xFBFAF9F8;
	v21 =	vimm.s32 $0xCBCAC9C8  }
0x9: {  	v22 =	vimm.s32 $0xDBDAD9D8;
	vm9 =	vcmask $0x300;
	vm10 =	vcmask $0x704  }
0xa: {  	vm11 =	vcmask $0xB08;
	vm12 =	vcmask $0xF0C;
	vm13 =	vcmask $0x1310  }
0xb: {  	vm14 =	vcmask $0x1714;
	vm8 =	vcmask $0x1B18;
	vm7 =	vcmask $0x1F1C  }
0xc: {  	vm6 =	vcmask $0x2320;
	vm5 =	vcmask $0x2724;
	vm4 =	vcmask $0x2B28  }
0xd: {  	vm3 =	vcmask $0x2F2C;
	vm2 =	vcmask $0x3330;
	vm1 =	vcmask $0x3734  }
0xe: {  	vm15 =	vcmask $0x3B38;
	v23 =	vimm.s32 $0x17B;
	v24 =	vimm.s32 $0x17F  }
0xf: {  	v25 =	vimm.s32 $0x1B3;
	v26 =	vimm.s32 $0x1B7;
	v27 =	vimm.s32 $0x1BB  }
0x10: {  	v28 =	vimm.s32 $0x1BF;
	v29 =	vimm.s32 $0x1F3;
	v30 =	vimm.s32 $0x1F7  }
0x11: {  	v31 =	vimm.s32 $0x1FB;
	v32 =	vimm.s32 $0x1FF;
	v61 =	vlaneseq.u32  }
0x12: {  	v0 =	vunpack.c.0.s8.s32 v0;
	v1 =	vunpack.c.0.s8.s32 v1;
	v2 =	vunpack.c.0.s8.s32 v2  }
0x13: {  	v3 =	vunpack.c.0.s8.s32 v3;
	v4 =	vunpack.c.0.s8.s32 v4;
	v5 =	vunpack.c.0.s8.s32 v5  }
0x14: {  	v6 =	vunpack.c.0.s8.s32 v6;
	v11 =	vunpack.c.0.s8.s32 v11;
	v12 =	vunpack.c.0.s8.s32 v12  }
0x15: {  	v16 =	vunpack.c.0.s8.s32 v16;
	v18 =	vunpack.c.0.s8.s32 v18;
	v19 =	vunpack.c.0.s8.s32 v19  }
0x16: {  	v20 =	vunpack.c.0.s8.s32 v20;
	v21 =	vunpack.c.0.s8.s32 v21;
	v22 =	vunpack.c.0.s8.s32 v22  }
0x17: {  	v23 =	vsel vm9, $0x148, v23;
	v24 =	vsel vm9, $0x14C, v24;
	v25 =	vsel vm9, $0x180, v25  }
0x18: {  	v26 =	vsel vm9, $0x184, v26;
	v27 =	vsel vm9, $0x188, v27;
	v28 =	vsel vm9, $0x18C, v28  }
0x19: {  	v29 =	vsel vm9, $0x1C0, v29;
	v30 =	vsel vm9, $0x1C4, v30;
	v31 =	vsel vm9, $0x1C8, v31  }
0x1a: {  	v32 =	vsel vm9, $0x1CC, v32;
	v23 =	vsel vm10, $0x149, v23;
	v24 =	vsel vm10, $0x14D, v24  }
0x1b: {  	v25 =	vsel vm10, $0x181, v25;
	v26 =	vsel vm10, $0x185, v26;
	v27 =	vsel vm10, $0x189, v27  }
0x1c: {  	v28 =	vsel vm10, $0x18D, v28;
	v29 =	vsel vm10, $0x1C1, v29;
	v30 =	vsel vm10, $0x1C5, v30  }
0x1d: {  	v31 =	vsel vm10, $0x1C9, v31;
	v32 =	vsel vm10, $0x1CD, v32;
	v0 =	vsel vm0, v1, v0  }
0x1e: {  	v1 =	vimm.s32 $0x3020100;
	v23 =	vsel vm11, $0x14A, v23;
	v24 =	vsel vm11, $0x14E, v24  }
0x1f: {  	v25 =	vsel vm11, $0x182, v25;
	v26 =	vsel vm11, $0x186, v26;
	v27 =	vsel vm11, $0x18A, v27  }
0x20: {  	v28 =	vsel vm11, $0x18E, v28;
	v29 =	vsel vm11, $0x1C2, v29;
	v30 =	vsel vm11, $0x1C6, v30  }
0x21: {  	v31 =	vsel vm11, $0x1CA, v31;
	v32 =	vsel vm11, $0x1CE, v32;
	v1 =	vunpack.c.0.s8.s32 v1  }
0x22: {  	v23 =	vsel vm12, $0x14B, v23;
	v24 =	vsel vm12, $0x14F, v24;
	v25 =	vsel vm12, $0x183, v25  }
0x23: {  	v26 =	vsel vm12, $0x187, v26;
	v27 =	vsel vm12, $0x18B, v27;
	v28 =	vsel vm12, $0x18F, v28  }
0x24: {  	v29 =	vsel vm12, $0x1C3, v29;
	v30 =	vsel vm12, $0x1C7, v30;
	v31 =	vsel vm12, $0x1CB, v31  }
0x25: {  	v32 =	vsel vm12, $0x1CF, v32;
	v23 =	vsel vm13, $0x158, v23;
	v24 =	vsel vm13, $0x15C, v24  }
0x26: {  	v25 =	vsel vm13, $0x190, v25;
	v26 =	vsel vm13, $0x194, v26;
	v27 =	vsel vm13, $0x198, v27  }
0x27: {  	v28 =	vsel vm13, $0x19C, v28;
	v29 =	vsel vm13, $0x1D0, v29;
	v30 =	vsel vm13, $0x1D4, v30  }
0x28: {  	v31 =	vsel vm13, $0x1D8, v31;
	v32 =	vsel vm13, $0x1DC, v32;
	v1 =	vsel vm0, v2, v1  }
0x29: {  	v2 =	vunpack.c.0.s8.s32 v7;
	v7 =	vunpack.c.0.s8.s32 v8;
	v8 =	vimm.s32 $0x1F1E1D1C  }
0x2a: {  	v23 =	vsel vm14, $0x159, v23;
	v24 =	vsel vm14, $0x15D, v24;
	v25 =	vsel vm14, $0x191, v25  }
0x2b: {  	v26 =	vsel vm14, $0x195, v26;
	v27 =	vsel vm14, $0x199, v27;
	v28 =	vsel vm14, $0x19D, v28  }
0x2c: {  	v29 =	vsel vm14, $0x1D1, v29;
	v30 =	vsel vm14, $0x1D5, v30;
	v31 =	vsel vm14, $0x1D9, v31  }
0x2d: {  	v32 =	vsel vm14, $0x1DD, v32;
	v0 =	vcombine.low v1, v0;
	v1 =	vsel vm0, v4, v3  }
0x2e: {  	v3 =	vsel vm0, v6, v5;
	v4 =	vimm.s32 $0x1B1A1918;
	v5 =	vimm.s32 $0x2F2E2D2C  }
0x2f: {  	v6 =	vimm.s32 $0x3F3E3D3C;
	v23 =	vsel vm8, $0x15A, v23;
	v24 =	vsel vm8, $0x15E, v24  }
0x30: {  	v25 =	vsel vm8, $0x192, v25;
	v26 =	vsel vm8, $0x196, v26;
	v27 =	vsel vm8, $0x19A, v27  }
0x31: {  	v28 =	vsel vm8, $0x19E, v28;
	v29 =	vsel vm8, $0x1D2, v29;
	v30 =	vsel vm8, $0x1D6, v30  }
0x32: {  	v31 =	vsel vm8, $0x1DA, v31;
	v32 =	vsel vm8, $0x1DE, v32;
	v1 =	vcombine.low v3, v1  }
0x33: {  	v2 =	vsel vm0, v7, v2;
	v3 =	vimm.s32 $0xB0A0908;
	v4 =	vunpack.c.0.s8.s32 v4  }
0x34: {  	v5 =	vunpack.c.0.s8.s32 v5;
	v6 =	vunpack.c.0.s8.s32 v6;
	v7 =	vimm.s32 $0xF0E0D0C  }
0x35: {  	v23 =	vsel vm7, $0x15B, v23;
	v24 =	vsel vm7, $0x15F, v24;
	v25 =	vsel vm7, $0x193, v25  }
0x36: {  	v26 =	vsel vm7, $0x197, v26;
	v27 =	vsel vm7, $0x19B, v27;
	v28 =	vsel vm7, $0x19F, v28  }
0x37: {  	v29 =	vsel vm7, $0x1D3, v29;
	v30 =	vsel vm7, $0x1D7, v30;
	v31 =	vsel vm7, $0x1DB, v31  }
0x38: {  	v32 =	vsel vm7, $0x1DF, v32;
	v3 =	vunpack.c.0.s8.s32 v3;
	v23 =	vsel vm6, $0x168, v23  }
0x39: {  	v24 =	vsel vm6, $0x16C, v24;
	v25 =	vsel vm6, $0x1A0, v25;
	v26 =	vsel vm6, $0x1A4, v26  }
0x3a: {  	v27 =	vsel vm6, $0x1A8, v27;
	v28 =	vsel vm6, $0x1AC, v28;
	v29 =	vsel vm6, $0x1E0, v29  }
0x3b: {  	v30 =	vsel vm6, $0x1E4, v30;
	v31 =	vsel vm6, $0x1E8, v31;
	v32 =	vsel vm6, $0x1EC, v32  }
0x3c: {  	v23 =	vsel vm5, $0x169, v23;
	v24 =	vsel vm5, $0x16D, v24;
	v25 =	vsel vm5, $0x1A1, v25  }
0x3d: {  	v26 =	vsel vm5, $0x1A5, v26;
	v27 =	vsel vm5, $0x1A9, v27;
	v28 =	vsel vm5, $0x1AD, v28  }
0x3e: {  	v29 =	vsel vm5, $0x1E1, v29;
	v30 =	vsel vm5, $0x1E5, v30;
	v31 =	vsel vm5, $0x1E9, v31  }
0x3f: {  	v32 =	vsel vm5, $0x1ED, v32;
	v3 =	vsel vm0, v4, v3;
	v4 =	vunpack.c.0.s8.s32 v7  }
0x40: {  	v7 =	vunpack.c.0.s8.s32 v8;
	v8 =	vimm.s32 $0x53525150;
	v23 =	vsel vm4, $0x16A, v23  }
0x41: {  	v24 =	vsel vm4, $0x16E, v24;
	v25 =	vsel vm4, $0x1A2, v25;
	v26 =	vsel vm4, $0x1A6, v26  }
0x42: {  	v27 =	vsel vm4, $0x1AA, v27;
	v28 =	vsel vm4, $0x1AE, v28;
	v29 =	vsel vm4, $0x1E2, v29  }
0x43: {  	v30 =	vsel vm4, $0x1E6, v30;
	v2 =	vcombine.low v3, v2;
	v3 =	vsel vm0, v6, v5  }
0x44: {  	v5 =	vimm.s32 $0x63626160;
	v6 =	vimm.s32 $0x73727170;
	v8 =	vunpack.c.0.s8.s32 v8  }
0x45: {  	v23 =	vsel vm3, $0x16B, v23;
	v24 =	vsel vm3, $0x16F, v24;
	v25 =	vsel vm3, $0x1A3, v25  }
0x46: {  	v26 =	vsel vm3, $0x1A7, v26;
	v27 =	vsel vm3, $0x1AB, v27;
	v28 =	vsel vm3, $0x1AF, v28  }
0x47: {  	v29 =	vsel vm3, $0x1E3, v29;
	v30 =	vsel vm3, $0x1E7, v30;
	v4 =	vsel vm0, v7, v4  }
0x48: {  	v5 =	vunpack.c.0.s8.s32 v5;
	v6 =	vunpack.c.0.s8.s32 v6;
	v7 =	vimm.s32 $0x43424140  }
0x49: {  	v23 =	vsel vm2, $0x178, v23;
	v24 =	vsel vm2, $0x17C, v24;
	v25 =	vsel vm2, $0x1B0, v25  }
0x4a: {  	v26 =	vsel vm2, $0x1B4, v26;
	v27 =	vsel vm2, $0x1B8, v27;
	v28 =	vsel vm2, $0x1BC, v28  }
0x4b: {  	v29 =	vsel vm2, $0x1F0, v29;
	v30 =	vsel vm2, $0x1F4, v30;
	v7 =	vunpack.c.0.s8.s32 v7  }
0x4c: {  	v3 =	vcombine.low v4, v3;
	v4 =	vand.u32 $0x7FFFFFFF, v9;
	v9 =	vimm.s32 $0x6B6A6968  }
0x4d: {  	v23 =	vsel vm1, $0x179, v23;
	v24 =	vsel vm1, $0x17D, v24;
	v25 =	vsel vm1, $0x1B1, v25  }
0x4e: {  	v26 =	vsel vm1, $0x1B5, v26;
	v27 =	vsel vm1, $0x1B9, v27;
	v28 =	vsel vm1, $0x1BD, v28  }
0x4f: {  	v29 =	vsel vm1, $0x1F1, v29;
	v33 =	vsel vm1, $0x1F5, v30;
	v30 =	vsel vm4, $0x1EA, v31  }
0x50: {  	v31 =	vsel vm4, $0x1EE, v32;
	v5 =	vsel vm0, v6, v5;
	v6 =	vimm.s32 $0x67666564  }
0x51: {  	v9 =	vunpack.c.0.s8.s32 v9;
	v23 =	vsel vm15, $0x17A, v23;
	v24 =	vsel vm15, $0x17E, v24  }
0x52: {  	v25 =	vsel vm15, $0x1B2, v25;
	v26 =	vsel vm15, $0x1B6, v26;
	v27 =	vsel vm15, $0x1BA, v27  }
0x53: {  	v28 =	vsel vm15, $0x1BE, v28;
	v29 =	vsel vm15, $0x1F2, v29;
	v30 =	vsel vm3, $0x1EB, v30  }
0x54: {  	v31 =	vsel vm3, $0x1EF, v31;
	v7 =	vsel vm0, v8, v7;
	v6 =	vunpack.c.0.s8.s32 v6  }
0x55: {  	v8 =	vunpack.c.0.s8.s32 v10;
	v10 =	vimm.s32 $0x7B7A7978;
	v34 =	vsel vm2, $0x1F8, v30  }
0x56: {  	v35 =	vsel vm2, $0x1FC, v31;
	v30 =	vmul.u32 $0x4, v61;
	v5 =	vcombine.low v7, v5  }
0x57: {  	v7 =	vimm.s32 $0x47464544;
	v6 =	vsel vm0, v8, v6;
	v8 =	vimm.s32 $0x57565554  }
0x58: {  	v31 =	vsel vm15, $0x1F6, v33;
	v7 =	vunpack.c.0.s8.s32 v7;
	v8 =	vunpack.c.0.s8.s32 v8  }
0x59: {  	v10 =	vunpack.c.0.s8.s32 v10;
	v62 =	vsel vm1, $0x1F9, v34;
	v63 =	vsel vm1, $0x1FD, v35  }
0x5a: {  	v32 =	vsel vm15, $0x1FA, v62;
	v7 =	vsel vm0, v8, v7;
	v8 =	vunpack.c.0.s8.s32 v13  }
0x5b: {  	v13 =	vunpack.c.0.s8.s32 v14;
	v14 =	vimm.s32 $0x93929190;
	v6 =	vcombine.low v7, v6  }
0x5c: {  	v7 =	vsel vm0, v10, v9;
	v9 =	vsel vm0, v12, v11;
	v10 =	vimm.s32 $0x4F4E4D4C  }
0x5d: {  	v11 =	vimm.s32 $0x5F5E5D5C;
	v12 =	vimm.s32 $0xB3B2B1B0;
	v14 =	vunpack.c.0.s8.s32 v14  }
0x5e: {  	v7 =	vcombine.low v9, v7;
	v8 =	vsel vm0, v13, v8;
	v9 =	vimm.s32 $0xA3A2A1A0  }
0x5f: {  	v13 =	vimm.s32 $0x83828180;
	v12 =	vunpack.c.0.s8.s32 v12;
	v10 =	vunpack.c.0.s8.s32 v10  }
0x60: {  	v11 =	vunpack.c.0.s8.s32 v11;
	v9 =	vunpack.c.0.s8.s32 v9;
	v13 =	vunpack.c.0.s8.s32 v13  }
0x61: {  	v33 =	vsel vm15, $0x1FE, v63;
	v34 =	vor.u32 $0x1, v30;
	v35 =	vor.u32 $0x2, v30  }
0x62: {  	v10 =	vsel vm0, v11, v10;
	v9 =	vsel vm0, v12, v9;
	v12 =	vsel vm0, v14, v13  }
0x63: {  	v13 =	vunpack.c.0.s8.s32 v15;
	v14 =	vimm.s32 $0xB7B6B5B4;
	v15 =	vimm.s32 $0x87868584  }
0x64: {  	v11 =	vimm.s32 $0xABAAA9A8;
	v14 =	vunpack.c.0.s8.s32 v14;
	v15 =	vunpack.c.0.s8.s32 v15  }
0x65: {  	v36 =	vor.u32 $0x3, v30;
	v37 =	vor.u32 $0x40, v30;
	v11 =	vunpack.c.0.s8.s32 v11  }
0x66: {  	v9 =	vcombine.low v12, v9;
	v12 =	vsel vm0, v14, v13;
	v13 =	vsel vm0, v16, v15  }
0x67: {  	v14 =	vimm.s32 $0xBBBAB9B8;
	v15 =	vimm.s32 $0x8B8A8988;
	v16 =	vimm.s32 $0x9B9A9998  }
0x68: {  	v14 =	vunpack.c.0.s8.s32 v14;
	v15 =	vunpack.c.0.s8.s32 v15;
	v16 =	vunpack.c.0.s8.s32 v16  }
0x69: {  	v8 =	vcombine.low v10, v8;
	v10 =	vcombine.low v13, v12;
	v13 =	vimm.s32 $0xAFAEADAC  }
0x6a: {  	v11 =	vsel vm0, v14, v11;
	v12 =	vsel vm0, v16, v15;
	v14 =	vimm.s32 $0x8F8E8D8C  }
0x6b: {  	v15 =	vimm.s32 $0x9F9E9D9C;
	v11 =	vcombine.low v12, v11;
	v12 =	vunpack.c.0.s8.s32 v13  }
0x6c: {  	v13 =	vimm.s32 $0xBFBEBDBC;
	v14 =	vunpack.c.0.s8.s32 v14;
	v15 =	vunpack.c.0.s8.s32 v15  }
0x6d: {  	v38 =	vor.u32 $0x41, v30;
	v39 =	vor.u32 $0x42, v30;
	v13 =	vunpack.c.0.s8.s32 v13  }
0x6e: {  	v40 =	vor.u32 $0x43, v30;
	v9 =	vand.u32 $0xFF, v9;
	v14 =	vsel vm0, v15, v14  }
0x6f: {  	v15 =	vimm.s32 $0xF3F2F1F0;
	v12 =	vsel vm0, v13, v12;
	v13 =	vimm.s32 $0xE3E2E1E0  }
0x70: {  	v16 =	vimm.s32 $0xC3C2C1C0;
	v15 =	vunpack.c.0.s8.s32 v15;
	v13 =	vunpack.c.0.s8.s32 v13  }
0x71: {  	v12 =	vcombine.low v14, v12;
	v14 =	vunpack.c.0.s8.s32 v16;
	v16 =	vunpack.c.0.s8.s32 v17  }
0x72: {  	v17 =	vimm.s32 $0xF7F6F5F4;
	v13 =	vsel vm0, v15, v13;
	v15 =	vimm.s32 $0xE7E6E5E4  }
0x73: {  	v14 =	vsel vm0, v16, v14;
	v16 =	vunpack.c.0.s8.s32 v17;
	v17 =	vimm.s32 $0xC7C6C5C4  }
0x74: {  	v10 =	vand.u32 $0xFF, v10;
	v15 =	vunpack.c.0.s8.s32 v15;
	v17 =	vunpack.c.0.s8.s32 v17  }
0x75: {  	v11 =	vand.u32 $0xFF, v11;
	v12 =	vand.u32 $0xFF, v12;
	v13 =	vcombine.low v14, v13  }
0x76: {  	v14 =	vsel vm0, v16, v15;
	v15 =	vsel vm0, v18, v17;
	v16 =	vsel vm0, v22, v21  }
0x77: {  	v13 =	vand.u32 $0xFF, v13;
	v17 =	vimm.s32 $0xEFEEEDEC;
	v18 =	vimm.s32 $0xFFFEFDFC  }
0x78: {  	v21 =	vimm.s32 $0x173;
	v22 =	vimm.s32 $0x177;
	v14 =	vcombine.low v15, v14  }
0x79: {  	v15 =	vsel vm0, v20, v19;
	v17 =	vunpack.c.0.s8.s32 v17;
	v18 =	vunpack.c.0.s8.s32 v18  }
0x7a: {  	v19 =	vimm.s32 $0xCFCECDCC;
	v20 =	vimm.s32 $0xDFDEDDDC;
	v21 =	vsel vm9, $0x140, v21  }
0x7b: {  	v22 =	vsel vm9, $0x144, v22;
	v15 =	vcombine.low v16, v15;
	v16 =	vimm.s32 $0x133  }
0x7c: {  	v19 =	vunpack.c.0.s8.s32 v19;
	v20 =	vunpack.c.0.s8.s32 v20;
	v21 =	vsel vm10, $0x141, v21  }
0x7d: {  	v22 =	vsel vm10, $0x145, v22;
	v14 =	vand.u32 $0xFF, v14;
	v16 =	vsel vm9, $0x100, v16  }
0x7e: {  	v17 =	vsel vm0, v18, v17;
	v21 =	vsel vm11, $0x142, v21;
	v22 =	vsel vm11, $0x146, v22  }
0x7f: {  	v15 =	vand.u32 $0xFF, v15;
	v16 =	vsel vm10, $0x101, v16;
	v18 =	vsel vm0, v20, v19  }
0x80: {  	v20 =	vimm.s32 $0x13F;
	v21 =	vsel vm12, $0x143, v21;
	v22 =	vsel vm12, $0x147, v22  }
0x81: {  	v16 =	vsel vm11, $0x102, v16;
	v17 =	vcombine.low v18, v17;
	v18 =	vimm.s32 $0x137  }
0x82: {  	v20 =	vsel vm9, $0x10C, v20;
	v21 =	vsel vm13, $0x150, v21;
	v16 =	vsel vm12, $0x103, v16  }
0x83: {  	v22 =	vsel vm13, $0x154, v22;
	v18 =	vsel vm9, $0x104, v18;
	v16 =	vsel vm13, $0x110, v16  }
0x84: {  	v20 =	vsel vm10, $0x10D, v20;
	v21 =	vsel vm14, $0x151, v21;
	v16 =	vsel vm14, $0x111, v16  }
0x85: {  	v22 =	vsel vm14, $0x155, v22;
	v18 =	vsel vm10, $0x105, v18;
	v16 =	vsel vm8, $0x112, v16  }
0x86: {  	v20 =	vsel vm11, $0x10E, v20;
	v21 =	vsel vm8, $0x152, v21;
	v16 =	vsel vm7, $0x113, v16  }
0x87: {  	v22 =	vsel vm8, $0x156, v22;
	v18 =	vsel vm11, $0x106, v18;
	v16 =	vsel vm6, $0x120, v16  }
0x88: {  	v20 =	vsel vm12, $0x10F, v20;
	v21 =	vsel vm7, $0x153, v21;
	v16 =	vsel vm5, $0x121, v16  }
0x89: {  	v22 =	vsel vm7, $0x157, v22;
	v18 =	vsel vm12, $0x107, v18;
	v16 =	vsel vm4, $0x122, v16  }
0x8a: {  	v20 =	vsel vm13, $0x11C, v20;
	v21 =	vsel vm6, $0x160, v21;
	v16 =	vsel vm3, $0x123, v16  }
0x8b: {  	v22 =	vsel vm6, $0x164, v22;
	v18 =	vsel vm13, $0x114, v18;
	v16 =	vsel vm2, $0x130, v16  }
0x8c: {  	v20 =	vsel vm14, $0x11D, v20;
	v21 =	vsel vm5, $0x161, v21;
	v19 =	vsel vm1, $0x131, v16  }
0x8d: {  	v16 =	vand.u32 $0xFF, v17;
	v17 =	vsel vm15, $0x132, v19;
	v19 =	vimm.s32 $0x13B  }
0x8e: {  	v22 =	vsel vm5, $0x165, v22;
	v18 =	vsel vm14, $0x115, v18;
	v19 =	vsel vm9, $0x108, v19  }
0x8f: {  	v20 =	vsel vm8, $0x11E, v20;
	v21 =	vsel vm4, $0x162, v21;
	v19 =	vsel vm10, $0x109, v19  }
0x90: {  	v22 =	vsel vm4, $0x166, v22;
	v18 =	vsel vm8, $0x116, v18;
	v19 =	vsel vm11, $0x10A, v19  }
0x91: {  	v20 =	vsel vm7, $0x11F, v20;
	v21 =	vsel vm3, $0x163, v21;
	v19 =	vsel vm12, $0x10B, v19  }
0x92: {  	s5 =	rddreg [dreg:$0x0];
	v22 =	vsel vm3, $0x167, v22;
	v18 =	vsel vm7, $0x117, v18;
	v19 =	vsel vm13, $0x118, v19  }
0x93: {  	s0 =	rddreg [dreg:$0x1];
	v20 =	vsel vm6, $0x12C, v20;
	v21 =	vsel vm2, $0x170, v21;
	v19 =	vsel vm14, $0x119, v19  }
0x94: {  	s6 =	rddreg [dreg:$0x2];
	v22 =	vsel vm2, $0x174, v22;
	v18 =	vsel vm6, $0x124, v18;
	v19 =	vsel vm8, $0x11A, v19  }
0x95: {  	s1 =	rddreg [dreg:$0x3];
	s2 =	simm.s32 $0x0;
	s4 =	srdreg.scid;
	v20 =	vsel vm5, $0x12D, v20;
	v21 =	vsel vm1, $0x171, v21;
	v19 =	vsel vm7, $0x11B, v19  }
0x96: {  	s3 =	stileid.u32;
	s11 =	simm.s32 $0x9E80;
	s12 =	simm.s32 $0x9F00;
	v22 =	vsel vm1, $0x175, v22;
	v18 =	vsel vm5, $0x125, v18;
	v19 =	vsel vm6, $0x128, v19  }
0x97: {  	s13 =	simm.s32 $0x2;
	[smem:$0x7FF] =	sst s2;
	s7 =	sand.u32 $0x1, s4;
	v20 =	vsel vm4, $0x12E, v20;
	v21 =	vsel vm15, $0x172, v21;
	v19 =	vsel vm5, $0x129, v19  }
0x98: {  	s9 =	sshll.u32 s3, $0x1;
	s4 =	sadd.s32 $0x800, s5;
	s8 =	ssub.s32 $0x2, s7;
	v22 =	vsel vm15, $0x176, v22;
	v18 =	vsel vm4, $0x126, v18;
	v19 =	vsel vm4, $0x12A, v19  }
0x99: {  	_ =	strace $0x80000047;
	s7 =	sor.u32 s7, s9;
	s10 =	sshrl.u32 s8, $0x1;
	v20 =	vsel vm3, $0x12F, v20;
	v18 =	vsel vm3, $0x127, v18;
	v19 =	vsel vm3, $0x12B, v19  }
0x9a: {  	s9 =	sshll.u32 s7, $0x6;
	s7 =	sshll.u32 s7, $0x2;
	s8 =	ssub.s32 s8, s10;
	v20 =	vsel vm2, $0x13C, v20;
	v18 =	vsel vm2, $0x134, v18;
	v19 =	vsel vm2, $0x138, v19  }
0x9b: {  	s5 =	sadd.s32 s5, s9;
	s6 =	sadd.s32 s6, s7;
	s9 =	simm.s32 $0x7F00;
	v20 =	vsel vm1, $0x13D, v20;
	v18 =	vsel vm1, $0x135, v18;
	v19 =	vsel vm1, $0x139, v19  }
0x9c: {  	s10 =	simm.s32 $0x1;
	s7 =	smax.u32 s8, $0x1;
	s8 =	simm.s32 $0x200;
	v20 =	vsel vm15, $0x13E, v20;
	v18 =	vsel vm15, $0x136, v18;
	v19 =	vsel vm15, $0x13A, v19  }
.LBB2_1:
0x9d: {  	[tilespmem:s2], [sflag:$0x1] =	stream.linear.gather [hbm4b:s5+s2], $0x200, $0x38;
	[tilespmem:$0x9F80] =	vst v63  }
0x9e: {  	_ = 	snop  }
0x9f: {  	[tilespmem:s8], [sflag:$0x1] =	stream.linear.gather [hbm4b:s4+s2], $0x7D00, $0x38;
	[tilespmem:$0x9F80] =	vst v63  }
0xa0: {  	_ = 	snop  }
0xa1: {  	[tilespmem:s9], [sflag:$0x1] =	stream.linear.gather [hbm4b:s0+s2], $0x1F80, $0x38;
	[tilespmem:$0x9F80] =	vst v63  }
0xa2: {  	_ =	swait.ge [sflag:s10], $0x200  }
0xa3: {  	[sflag:s10] =	ssyncset.done $0x0  }
0xa4: {  	[sflag:s10] =	ssyncadd.s32 $0xFFFFFE00  }
0xa5: {  	_ =	swait.ge [sflag:s10], $0x7D00  }
0xa6: {  	[sflag:s10] =	ssyncset.done $0x0  }
0xa7: {  	[sflag:s10] =	ssyncadd.s32 $0xFFFF8300  }
0xa8: {  	_ =	swait.ge [sflag:s10], $0x1F80  }
0xa9: {  	[sflag:s10] =	ssyncset.done $0x0  }
0xaa: {  	[sflag:s10] =	ssyncadd.s32 $0xFFFFE080  }
0xab: {  	v41 =	vld.idx.msk [tilespmem:v3+s2+$0x0], $0xffff;
	_ =	sdelay $0x4  }
0xac: {  	v41 =	vtrunc.f32 v41  }
0xad: {  	v41 =	vcvt.f32.s32 v41;
	_ =	sdelay $0x1  }
0xae: {  	v42 =	vadd.s32 $0xFFFFFFFF, v41;
	v43 =	vadd.s32 $0x1F40, v41  }
0xaf: {  	v44 =	vadd.s32 $0x3E80, v41;
	vm0 =	vgt.s32 v42, $0x0  }
0xb0: {  	v45 =	vld.idx.msk [tilespmem:v0+s2+$0x0], $0xffff;
	v46 =	vadd.s32 $0x5DC0, v41;
	v42 =	vnsel vm0, $0x0, v42  }
0xb1: {  	v47 =	vld.idx.msk [tilespmem:v1+s2+$0x0], $0xffff;
	v48 =	vadd.s32 $0x3E80, v42  }
0xb2: {  	v50 =	vadd.s32 $0x5DC0, v42;
	v49 =	vld.idx.msk [tilespmem:v41+s8+$0x0], $0xffff  }
0xb3: {  	v43 =	vld.idx.msk [tilespmem:v43+s8+$0x0], $0xffff  }
0xb4: {  	v44 =	vld.idx.msk [tilespmem:v44+s8+$0x0], $0xffff  }
0xb5: {  	v46 =	vld.idx.msk [tilespmem:v46+s8+$0x0], $0xffff  }
0xb6: {  	v48 =	vld.idx.msk [tilespmem:v48+s8+$0x0], $0xffff  }
0xb7: {  	v50 =	vld.idx.msk [tilespmem:v50+s8+$0x0], $0xffff;
	_ =	sdelay $0x1  }
0xb8: {  	v45 =	vsub.f32 v45, v49;
	v43 =	vsub.f32 v47, v43  }
0xb9: {  	v41 =	vld.idx.msk [tilespmem:v41+s9+$0x0], $0xffff  }
0xba: {  	v42 =	vld.idx.msk [tilespmem:v42+s9+$0x0], $0xffff;
	v46 =	vmul.f32 v46, v45;
	v44 =	vmul.f32 v44, v43  }
0xbb: {  	v45 =	vmul.f32 v50, v45;
	v43 =	vmul.f32 v48, v43;
	_ =	sdelay $0x1  }
0xbc: {  	v44 =	vsub.f32 v46, v44;
	v43 =	vsub.f32 v45, v43;
	_ =	sdelay $0x1  }
0xbd: {  	vm10 =	veq.s32 v41, v42;
	vm1 =	vlt.f32 v43, v44  }
0xbe: {  	vm0 =	vmand vm10, vm1  }
0xbf: {  	v54 =	vsel vm0, v43, v44  }
0xc0: {  	v55 =	vld.idx.msk [tilespmem:v2+s2+$0x0], $0xffff;
	v43 =	vand.u32 $0x80000000, v54;
	vm0 =	vlt.f32 v54, $0.0e+00;
	vm11 =	vgt.f32 v54, $0.0e+00  }
0xc1: {  	v43 =	vor.u32 v43, v4;
	vm0 =	vmor vm11, vm0  }
0xc2: {  	v41 =	vsel vm0, v43, v54  }
0xc3: {  	vm0 =	veq.f32 v41, $0.0e+00  }
0xc4: {  	v41 =	vsel vm0, $0x3F800000, v41  }
0xc5: {  	v41 =	vmul.f32 v41, v55;
	_ =	sdelay $0x1  }
0xc6: {  	[tilespmem:$0x9E80] =	vst v41  }
0xc7: {  	v41 =	vld.idx.msk [tilespmem:v8+s2+$0x0], $0xffff;
	_ =	sdelay $0x4  }
0xc8: {  	v41 =	vtrunc.f32 v41  }
0xc9: {  	v41 =	vcvt.f32.s32 v41;
	_ =	sdelay $0x1  }
0xca: {  	v56 =	vadd.s32 $0xFFFFFFFF, v41;
	v57 =	vadd.s32 $0x1F40, v41  }
0xcb: {  	v58 =	vadd.s32 $0x3E80, v41;
	vm12 =	vgt.s32 v56, $0x0  }
0xcc: {  	v59 =	vld.idx.msk [tilespmem:v5+s2+$0x0], $0xffff;
	v60 =	vadd.s32 $0x5DC0, v41;
	v42 =	vnsel vm12, $0x0, v56  }
0xcd: {  	v61 =	vld.idx.msk [tilespmem:v6+s2+$0x0], $0xffff;
	v62 =	vadd.s32 $0x3E80, v42  }
0xce: {  	v52 =	vadd.s32 $0x5DC0, v42;
	v63 =	vld.idx.msk [tilespmem:v41+s8+$0x0], $0xffff  }
0xcf: {  	v43 =	vld.idx.msk [tilespmem:v57+s8+$0x0], $0xffff  }
0xd0: {  	v44 =	vld.idx.msk [tilespmem:v58+s8+$0x0], $0xffff  }
0xd1: {  	v46 =	vld.idx.msk [tilespmem:v60+s8+$0x0], $0xffff  }
0xd2: {  	v48 =	vld.idx.msk [tilespmem:v62+s8+$0x0], $0xffff  }
0xd3: {  	v50 =	vld.idx.msk [tilespmem:v52+s8+$0x0], $0xffff;
	_ =	sdelay $0x1  }
0xd4: {  	v45 =	vsub.f32 v59, v63;
	v43 =	vsub.f32 v61, v43  }
0xd5: {  	v41 =	vld.idx.msk [tilespmem:v41+s9+$0x0], $0xffff  }
0xd6: {  	v42 =	vld.idx.msk [tilespmem:v42+s9+$0x0], $0xffff;
	v46 =	vmul.f32 v46, v45;
	v44 =	vmul.f32 v44, v43  }
0xd7: {  	v45 =	vmul.f32 v50, v45;
	v43 =	vmul.f32 v48, v43;
	_ =	sdelay $0x1  }
0xd8: {  	v44 =	vsub.f32 v46, v44;
	v43 =	vsub.f32 v45, v43;
	_ =	sdelay $0x1  }
0xd9: {  	vm13 =	veq.s32 v41, v42;
	vm14 =	vlt.f32 v43, v44  }
0xda: {  	vm0 =	vmand vm13, vm14  }
0xdb: {  	v53 =	vsel vm0, v43, v44  }
0xdc: {  	v54 =	vld.idx.msk [tilespmem:v7+s2+$0x0], $0xffff;
	v43 =	vand.u32 $0x80000000, v53;
	vm0 =	vlt.f32 v53, $0.0e+00;
	vm15 =	vgt.f32 v53, $0.0e+00  }
0xdd: {  	v43 =	vor.u32 v43, v4;
	vm0 =	vmor vm15, vm0  }
0xde: {  	v41 =	vsel vm0, v43, v53  }
0xdf: {  	vm0 =	veq.f32 v41, $0.0e+00  }
0xe0: {  	v41 =	vsel vm0, $0x3F800000, v41  }
0xe1: {  	v41 =	vmul.f32 v41, v54;
	_ =	sdelay $0x1  }
0xe2: {  	[tilespmem:$0x9E90] =	vst v41  }
0xe3: {  	v41 =	vld.idx.msk [tilespmem:v12+s2+$0x0], $0xffff;
	_ =	sdelay $0x4  }
0xe4: {  	v41 =	vtrunc.f32 v41  }
0xe5: {  	v41 =	vcvt.f32.s32 v41;
	_ =	sdelay $0x1  }
0xe6: {  	v55 =	vadd.s32 $0xFFFFFFFF, v41;
	v56 =	vadd.s32 $0x1F40, v41  }
0xe7: {  	v57 =	vadd.s32 $0x3E80, v41;
	vm4 =	vgt.s32 v55, $0x0  }
0xe8: {  	v58 =	vld.idx.msk [tilespmem:v9+s2+$0x0], $0xffff;
	v59 =	vadd.s32 $0x5DC0, v41;
	v42 =	vnsel vm4, $0x0, v55  }
0xe9: {  	v60 =	vld.idx.msk [tilespmem:v10+s2+$0x0], $0xffff;
	v61 =	vadd.s32 $0x3E80, v42  }
0xea: {  	v63 =	vadd.s32 $0x5DC0, v42;
	v62 =	vld.idx.msk [tilespmem:v41+s8+$0x0], $0xffff  }
0xeb: {  	v43 =	vld.idx.msk [tilespmem:v56+s8+$0x0], $0xffff  }
0xec: {  	v44 =	vld.idx.msk [tilespmem:v57+s8+$0x0], $0xffff  }
0xed: {  	v46 =	vld.idx.msk [tilespmem:v59+s8+$0x0], $0xffff  }
0xee: {  	v48 =	vld.idx.msk [tilespmem:v61+s8+$0x0], $0xffff  }
0xef: {  	v50 =	vld.idx.msk [tilespmem:v63+s8+$0x0], $0xffff;
	_ =	sdelay $0x1  }
0xf0: {  	v45 =	vsub.f32 v58, v62;
	v43 =	vsub.f32 v60, v43  }
0xf1: {  	v41 =	vld.idx.msk [tilespmem:v41+s9+$0x0], $0xffff  }
0xf2: {  	v42 =	vld.idx.msk [tilespmem:v42+s9+$0x0], $0xffff;
	v46 =	vmul.f32 v46, v45;
	v44 =	vmul.f32 v44, v43  }
0xf3: {  	v45 =	vmul.f32 v50, v45;
	v43 =	vmul.f32 v48, v43;
	_ =	sdelay $0x1  }
0xf4: {  	v44 =	vsub.f32 v46, v44;
	v43 =	vsub.f32 v45, v43;
	_ =	sdelay $0x1  }
0xf5: {  	vm5 =	veq.s32 v41, v42;
	vm6 =	vlt.f32 v43, v44  }
0xf6: {  	vm0 =	vmand vm5, vm6  }
0xf7: {  	v49 =	vsel vm0, v43, v44  }
0xf8: {  	v50 =	vld.idx.msk [tilespmem:v11+s2+$0x0], $0xffff;
	v43 =	vand.u32 $0x80000000, v49;
	vm0 =	vlt.f32 v49, $0.0e+00;
	vm7 =	vgt.f32 v49, $0.0e+00  }
0xf9: {  	v43 =	vor.u32 v43, v4;
	vm0 =	vmor vm7, vm0  }
0xfa: {  	v41 =	vsel vm0, v43, v49  }
0xfb: {  	vm0 =	veq.f32 v41, $0.0e+00  }
0xfc: {  	v41 =	vsel vm0, $0x3F800000, v41  }
0xfd: {  	v41 =	vmul.f32 v41, v50;
	_ =	sdelay $0x1  }
0xfe: {  	[tilespmem:$0x9EA0] =	vst v41  }
0xff: {  	v41 =	vld.idx.msk [tilespmem:v16+s2+$0x0], $0xffff;
	_ =	sdelay $0x4  }
0x100: {  	v41 =	vtrunc.f32 v41  }
0x101: {  	v41 =	vcvt.f32.s32 v41;
	_ =	sdelay $0x1  }
0x102: {  	v51 =	vadd.s32 $0xFFFFFFFF, v41;
	v52 =	vadd.s32 $0x1F40, v41  }
0x103: {  	v53 =	vadd.s32 $0x3E80, v41;
	vm8 =	vgt.s32 v51, $0x0  }
0x104: {  	v54 =	vld.idx.msk [tilespmem:v13+s2+$0x0], $0xffff;
	v55 =	vadd.s32 $0x5DC0, v41;
	v42 =	vnsel vm8, $0x0, v51  }
0x105: {  	v56 =	vld.idx.msk [tilespmem:v14+s2+$0x0], $0xffff;
	v57 =	vadd.s32 $0x3E80, v42  }
0x106: {  	v59 =	vadd.s32 $0x5DC0, v42;
	v58 =	vld.idx.msk [tilespmem:v41+s8+$0x0], $0xffff  }
0x107: {  	v43 =	vld.idx.msk [tilespmem:v52+s8+$0x0], $0xffff  }
0x108: {  	v44 =	vld.idx.msk [tilespmem:v53+s8+$0x0], $0xffff  }
0x109: {  	v46 =	vld.idx.msk [tilespmem:v55+s8+$0x0], $0xffff  }
0x10a: {  	v48 =	vld.idx.msk [tilespmem:v57+s8+$0x0], $0xffff  }
0x10b: {  	v50 =	vld.idx.msk [tilespmem:v59+s8+$0x0], $0xffff;
	_ =	sdelay $0x1  }
0x10c: {  	v45 =	vsub.f32 v54, v58;
	v43 =	vsub.f32 v56, v43  }
0x10d: {  	v41 =	vld.idx.msk [tilespmem:v41+s9+$0x0], $0xffff  }
0x10e: {  	v42 =	vld.idx.msk [tilespmem:v42+s9+$0x0], $0xffff;
	v46 =	vmul.f32 v46, v45;
	v44 =	vmul.f32 v44, v43  }
0x10f: {  	v45 =	vmul.f32 v50, v45;
	v43 =	vmul.f32 v48, v43;
	_ =	sdelay $0x1  }
0x110: {  	v44 =	vsub.f32 v46, v44;
	v43 =	vsub.f32 v45, v43;
	_ =	sdelay $0x1  }
0x111: {  	vm9 =	veq.s32 v41, v42;
	vm10 =	vlt.f32 v43, v44  }
0x112: {  	vm0 =	vmand vm9, vm10  }
0x113: {  	v60 =	vsel vm0, v43, v44  }
0x114: {  	v61 =	vld.idx.msk [tilespmem:v15+s2+$0x0], $0xffff;
	v43 =	vand.u32 $0x80000000, v60;
	vm0 =	vlt.f32 v60, $0.0e+00;
	vm11 =	vgt.f32 v60, $0.0e+00  }
0x115: {  	v43 =	vor.u32 v43, v4;
	vm0 =	vmor vm11, vm0  }
0x116: {  	v41 =	vsel vm0, v43, v60  }
0x117: {  	vm0 =	veq.f32 v41, $0.0e+00  }
0x118: {  	v41 =	vsel vm0, $0x3F800000, v41  }
0x119: {  	v41 =	vmul.f32 v41, v61;
	_ =	sdelay $0x1  }
0x11a: {  	[tilespmem:$0x9EB0] =	vst v41  }
0x11b: {  	v41 =	vld.idx.msk [tilespmem:v20+s2+$0x0], $0xffff;
	_ =	sdelay $0x4  }
0x11c: {  	v41 =	vtrunc.f32 v41  }
0x11d: {  	v41 =	vcvt.f32.s32 v41;
	_ =	sdelay $0x1  }
0x11e: {  	v62 =	vadd.s32 $0xFFFFFFFF, v41;
	v63 =	vadd.s32 $0x1F40, v41  }
0x11f: {  	v52 =	vadd.s32 $0x3E80, v41;
	vm12 =	vgt.s32 v62, $0x0  }
0x120: {  	v53 =	vld.idx.msk [tilespmem:v17+s2+$0x0], $0xffff;
	v54 =	vadd.s32 $0x5DC0, v41;
	v42 =	vnsel vm12, $0x0, v62  }
0x121: {  	v55 =	vld.idx.msk [tilespmem:v18+s2+$0x0], $0xffff;
	v56 =	vadd.s32 $0x3E80, v42  }
0x122: {  	v58 =	vadd.s32 $0x5DC0, v42;
	v57 =	vld.idx.msk [tilespmem:v41+s8+$0x0], $0xffff  }
0x123: {  	v43 =	vld.idx.msk [tilespmem:v63+s8+$0x0], $0xffff  }
0x124: {  	v44 =	vld.idx.msk [tilespmem:v52+s8+$0x0], $0xffff  }
0x125: {  	v46 =	vld.idx.msk [tilespmem:v54+s8+$0x0], $0xffff  }
0x126: {  	v48 =	vld.idx.msk [tilespmem:v56+s8+$0x0], $0xffff  }
0x127: {  	v50 =	vld.idx.msk [tilespmem:v58+s8+$0x0], $0xffff;
	_ =	sdelay $0x1  }
0x128: {  	v45 =	vsub.f32 v53, v57;
	v43 =	vsub.f32 v55, v43  }
0x129: {  	v41 =	vld.idx.msk [tilespmem:v41+s9+$0x0], $0xffff  }
0x12a: {  	v42 =	vld.idx.msk [tilespmem:v42+s9+$0x0], $0xffff;
	v46 =	vmul.f32 v46, v45;
	v44 =	vmul.f32 v44, v43  }
0x12b: {  	v45 =	vmul.f32 v50, v45;
	v43 =	vmul.f32 v48, v43;
	_ =	sdelay $0x1  }
0x12c: {  	v44 =	vsub.f32 v46, v44;
	v43 =	vsub.f32 v45, v43;
	_ =	sdelay $0x1  }
0x12d: {  	vm13 =	veq.s32 v41, v42;
	vm14 =	vlt.f32 v43, v44  }
0x12e: {  	vm0 =	vmand vm13, vm14  }
0x12f: {  	v59 =	vsel vm0, v43, v44  }
0x130: {  	v60 =	vld.idx.msk [tilespmem:v19+s2+$0x0], $0xffff;
	v43 =	vand.u32 $0x80000000, v59;
	vm0 =	vlt.f32 v59, $0.0e+00;
	vm15 =	vgt.f32 v59, $0.0e+00  }
0x131: {  	v43 =	vor.u32 v43, v4;
	vm0 =	vmor vm15, vm0  }
0x132: {  	v41 =	vsel vm0, v43, v59  }
0x133: {  	vm0 =	veq.f32 v41, $0.0e+00  }
0x134: {  	v41 =	vsel vm0, $0x3F800000, v41  }
0x135: {  	v41 =	vmul.f32 v41, v60;
	_ =	sdelay $0x1  }
0x136: {  	[tilespmem:$0x9EC0] =	vst v41  }
0x137: {  	v41 =	vld.idx.msk [tilespmem:v24+s2+$0x0], $0xffff;
	_ =	sdelay $0x4  }
0x138: {  	v41 =	vtrunc.f32 v41  }
0x139: {  	v41 =	vcvt.f32.s32 v41;
	_ =	sdelay $0x1  }
0x13a: {  	v61 =	vadd.s32 $0xFFFFFFFF, v41;
	v62 =	vadd.s32 $0x1F40, v41  }
0x13b: {  	v63 =	vadd.s32 $0x3E80, v41;
	vm4 =	vgt.s32 v61, $0x0  }
0x13c: {  	v52 =	vld.idx.msk [tilespmem:v21+s2+$0x0], $0xffff;
	v53 =	vadd.s32 $0x5DC0, v41;
	v42 =	vnsel vm4, $0x0, v61  }
0x13d: {  	v54 =	vld.idx.msk [tilespmem:v22+s2+$0x0], $0xffff;
	v55 =	vadd.s32 $0x3E80, v42  }
0x13e: {  	v57 =	vadd.s32 $0x5DC0, v42;
	v56 =	vld.idx.msk [tilespmem:v41+s8+$0x0], $0xffff  }
0x13f: {  	v43 =	vld.idx.msk [tilespmem:v62+s8+$0x0], $0xffff  }
0x140: {  	v44 =	vld.idx.msk [tilespmem:v63+s8+$0x0], $0xffff  }
0x141: {  	v46 =	vld.idx.msk [tilespmem:v53+s8+$0x0], $0xffff  }
0x142: {  	v48 =	vld.idx.msk [tilespmem:v55+s8+$0x0], $0xffff  }
0x143: {  	v50 =	vld.idx.msk [tilespmem:v57+s8+$0x0], $0xffff;
	_ =	sdelay $0x1  }
0x144: {  	v45 =	vsub.f32 v52, v56;
	v43 =	vsub.f32 v54, v43  }
0x145: {  	v41 =	vld.idx.msk [tilespmem:v41+s9+$0x0], $0xffff  }
0x146: {  	v42 =	vld.idx.msk [tilespmem:v42+s9+$0x0], $0xffff;
	v46 =	vmul.f32 v46, v45;
	v44 =	vmul.f32 v44, v43  }
0x147: {  	v45 =	vmul.f32 v50, v45;
	v43 =	vmul.f32 v48, v43;
	_ =	sdelay $0x1  }
0x148: {  	v44 =	vsub.f32 v46, v44;
	v43 =	vsub.f32 v45, v43;
	_ =	sdelay $0x1  }
0x149: {  	vm5 =	veq.s32 v41, v42;
	vm6 =	vlt.f32 v43, v44  }
0x14a: {  	vm0 =	vmand vm5, vm6  }
0x14b: {  	v58 =	vsel vm0, v43, v44  }
0x14c: {  	v59 =	vld.idx.msk [tilespmem:v23+s2+$0x0], $0xffff;
	v43 =	vand.u32 $0x80000000, v58;
	vm0 =	vlt.f32 v58, $0.0e+00;
	vm7 =	vgt.f32 v58, $0.0e+00  }
0x14d: {  	v43 =	vor.u32 v43, v4;
	vm0 =	vmor vm7, vm0  }
0x14e: {  	v41 =	vsel vm0, v43, v58  }
0x14f: {  	vm0 =	veq.f32 v41, $0.0e+00  }
0x150: {  	v41 =	vsel vm0, $0x3F800000, v41  }
0x151: {  	v41 =	vmul.f32 v41, v59;
	_ =	sdelay $0x1  }
0x152: {  	[tilespmem:$0x9ED0] =	vst v41  }
0x153: {  	v41 =	vld.idx.msk [tilespmem:v28+s2+$0x0], $0xffff;
	_ =	sdelay $0x4  }
0x154: {  	v41 =	vtrunc.f32 v41  }
0x155: {  	v41 =	vcvt.f32.s32 v41;
	_ =	sdelay $0x1  }
0x156: {  	v60 =	vadd.s32 $0xFFFFFFFF, v41;
	v61 =	vadd.s32 $0x1F40, v41  }
0x157: {  	v62 =	vadd.s32 $0x3E80, v41;
	vm8 =	vgt.s32 v60, $0x0  }
0x158: {  	v63 =	vld.idx.msk [tilespmem:v25+s2+$0x0], $0xffff;
	v52 =	vadd.s32 $0x5DC0, v41;
	v42 =	vnsel vm8, $0x0, v60  }
0x159: {  	v53 =	vld.idx.msk [tilespmem:v26+s2+$0x0], $0xffff;
	v54 =	vadd.s32 $0x3E80, v42  }
0x15a: {  	v56 =	vadd.s32 $0x5DC0, v42;
	v55 =	vld.idx.msk [tilespmem:v41+s8+$0x0], $0xffff  }
0x15b: {  	v43 =	vld.idx.msk [tilespmem:v61+s8+$0x0], $0xffff  }
0x15c: {  	v44 =	vld.idx.msk [tilespmem:v62+s8+$0x0], $0xffff  }
0x15d: {  	v46 =	vld.idx.msk [tilespmem:v52+s8+$0x0], $0xffff  }
0x15e: {  	v48 =	vld.idx.msk [tilespmem:v54+s8+$0x0], $0xffff  }
0x15f: {  	v50 =	vld.idx.msk [tilespmem:v56+s8+$0x0], $0xffff;
	_ =	sdelay $0x1  }
0x160: {  	v45 =	vsub.f32 v63, v55;
	v43 =	vsub.f32 v53, v43  }
0x161: {  	v41 =	vld.idx.msk [tilespmem:v41+s9+$0x0], $0xffff  }
0x162: {  	v42 =	vld.idx.msk [tilespmem:v42+s9+$0x0], $0xffff;
	v46 =	vmul.f32 v46, v45;
	v44 =	vmul.f32 v44, v43  }
0x163: {  	v45 =	vmul.f32 v50, v45;
	v43 =	vmul.f32 v48, v43;
	_ =	sdelay $0x1  }
0x164: {  	v44 =	vsub.f32 v46, v44;
	v43 =	vsub.f32 v45, v43;
	_ =	sdelay $0x1  }
0x165: {  	vm9 =	veq.s32 v41, v42;
	vm10 =	vlt.f32 v43, v44  }
0x166: {  	vm0 =	vmand vm9, vm10  }
0x167: {  	v57 =	vsel vm0, v43, v44  }
0x168: {  	v58 =	vld.idx.msk [tilespmem:v27+s2+$0x0], $0xffff;
	v43 =	vand.u32 $0x80000000, v57;
	vm0 =	vlt.f32 v57, $0.0e+00;
	vm11 =	vgt.f32 v57, $0.0e+00  }
0x169: {  	v43 =	vor.u32 v43, v4;
	vm0 =	vmor vm11, vm0  }
0x16a: {  	v41 =	vsel vm0, v43, v57  }
0x16b: {  	vm0 =	veq.f32 v41, $0.0e+00  }
0x16c: {  	v41 =	vsel vm0, $0x3F800000, v41  }
0x16d: {  	v41 =	vmul.f32 v41, v58;
	_ =	sdelay $0x1  }
0x16e: {  	[tilespmem:$0x9EE0] =	vst v41  }
0x16f: {  	v41 =	vld.idx.msk [tilespmem:v33+s2+$0x0], $0xffff;
	_ =	sdelay $0x4  }
0x170: {  	v41 =	vtrunc.f32 v41  }
0x171: {  	v41 =	vcvt.f32.s32 v41;
	_ =	sdelay $0x1  }
0x172: {  	v59 =	vadd.s32 $0xFFFFFFFF, v41;
	v60 =	vadd.s32 $0x1F40, v41  }
0x173: {  	v61 =	vadd.s32 $0x3E80, v41;
	vm12 =	vgt.s32 v59, $0x0  }
0x174: {  	v62 =	vld.idx.msk [tilespmem:v29+s2+$0x0], $0xffff;
	v63 =	vadd.s32 $0x5DC0, v41;
	v42 =	vnsel vm12, $0x0, v59  }
0x175: {  	v52 =	vld.idx.msk [tilespmem:v31+s2+$0x0], $0xffff;
	v53 =	vadd.s32 $0x3E80, v42  }
0x176: {  	v55 =	vadd.s32 $0x5DC0, v42;
	v54 =	vld.idx.msk [tilespmem:v41+s8+$0x0], $0xffff  }
0x177: {  	v43 =	vld.idx.msk [tilespmem:v60+s8+$0x0], $0xffff  }
0x178: {  	v44 =	vld.idx.msk [tilespmem:v61+s8+$0x0], $0xffff  }
0x179: {  	v46 =	vld.idx.msk [tilespmem:v63+s8+$0x0], $0xffff  }
0x17a: {  	v48 =	vld.idx.msk [tilespmem:v53+s8+$0x0], $0xffff  }
0x17b: {  	v50 =	vld.idx.msk [tilespmem:v55+s8+$0x0], $0xffff;
	_ =	sdelay $0x1  }
0x17c: {  	v45 =	vsub.f32 v62, v54;
	v43 =	vsub.f32 v52, v43  }
0x17d: {  	v41 =	vld.idx.msk [tilespmem:v41+s9+$0x0], $0xffff  }
0x17e: {  	v42 =	vld.idx.msk [tilespmem:v42+s9+$0x0], $0xffff;
	v46 =	vmul.f32 v46, v45;
	v44 =	vmul.f32 v44, v43  }
0x17f: {  	v45 =	vmul.f32 v50, v45;
	v43 =	vmul.f32 v48, v43;
	_ =	sdelay $0x1  }
0x180: {  	v44 =	vsub.f32 v46, v44;
	v43 =	vsub.f32 v45, v43;
	_ =	sdelay $0x1  }
0x181: {  	vm13 =	veq.s32 v41, v42;
	vm14 =	vlt.f32 v43, v44  }
0x182: {  	vm0 =	vmand vm13, vm14  }
0x183: {  	v56 =	vsel vm0, v43, v44  }
0x184: {  	v57 =	vld.idx.msk [tilespmem:v32+s2+$0x0], $0xffff;
	v43 =	vand.u32 $0x80000000, v56;
	vm0 =	vlt.f32 v56, $0.0e+00;
	vm15 =	vgt.f32 v56, $0.0e+00  }
0x185: {  	v43 =	vor.u32 v43, v4;
	vm0 =	vmor vm15, vm0  }
0x186: {  	v41 =	vsel vm0, v43, v56  }
0x187: {  	vm0 =	veq.f32 v41, $0.0e+00  }
0x188: {  	v41 =	vsel vm0, $0x3F800000, v41  }
0x189: {  	v41 =	vmul.f32 v41, v57;
	_ =	sdelay $0x1  }
0x18a: {  	[tilespmem:$0x9EF0] =	vst v41  }
0x18b: {  	v41 =	vld.idx.msk [tilespmem:v30+s11+$0x0], $0xffff  }
0x18c: {  	v58 =	vld.idx.msk [tilespmem:v34+s11+$0x0], $0xffff  }
0x18d: {  	v59 =	vld.idx.msk [tilespmem:v35+s11+$0x0], $0xffff  }
0x18e: {  	v60 =	vld.idx.msk [tilespmem:v36+s11+$0x0], $0xffff;
	_ =	sdelay $0x2  }
0x18f: {  	v41 =	vmax.f32 v41, v58  }
0x190: {  	v41 =	vmax.f32 v41, v59  }
0x191: {  	v41 =	vmax.f32 v41, v60  }
0x192: {  	[tilespmem:$0x9F00] =	vst v41  }
0x193: {  	v41 =	vld.idx.msk [tilespmem:v37+s11+$0x0], $0xffff  }
0x194: {  	v61 =	vld.idx.msk [tilespmem:v38+s11+$0x0], $0xffff  }
0x195: {  	v62 =	vld.idx.msk [tilespmem:v39+s11+$0x0], $0xffff  }
0x196: {  	v63 =	vld.idx.msk [tilespmem:v40+s11+$0x0], $0xffff;
	_ =	sdelay $0x2  }
0x197: {  	v41 =	vmax.f32 v41, v61  }
0x198: {  	v41 =	vmax.f32 v41, v62  }
0x199: {  	p0 =	sne.s32 s7, $0x1;
	v41 =	vmax.f32 v41, v63  }
.Ltmp0:
0x19a: {  	[tilespmem:$0x9F10] =	vst v41;
	(pc) =	sbr.rel @p0 .LBB2_1-.Ltmp0, $4  }
0x19b: {  	[hbm4b:s6+s2] =	stream.linear.scatter [tilespmem:s12], [sflag:$0x2], $0x20, $0x38;
	[tilespmem:$0x9F80] =	vst v63  }
0x19c: {  	_ =	swait.ge [sflag:s13], $0x20  }
0x19d: {  	[sflag:s13] =	ssyncset.done $0x0  }
0x19e: {  	s7 =	sadd.s32 $0xFFFFFFFF, s7;
	[sflag:s13] =	ssyncadd.s32 $0xFFFFFFE0  }
0x19f: {  	_ =	sfence.sel $0x180000  }
0x1a0: {  	[bflag:$0x0] =	sbarrier.arrive $0xFFFF  }
0x1a1: {  	p0 =	sne.s32 s3, $0x0;
	_ =	strace $0x90000047  }
0x1a2: {  	s0 =	sadd.s32 @!p0 $0x100000, s1;
	[bflag:$0x2] =	sbarrier.arrive $0xFFFF  }
0x1a3: {  	[sflag:s0] =	ssyncadd.tile.s32 @!p0 $0x1;
	_ =	shalt  }
.Lfunc_end2:
_tile_overlayer_lowered:
.L_overlay_start_2:
0x1a4: {  	(tag) =	ssettag $0x2  }
0x1a5: {  	s0 =	rddreg [dreg:$0x0];
	s2 =	stileid.u32  }
0x1a6: {  	s1 =	rddreg [dreg:$0x1];
	p0 =	sne.s32 s2, $0x0  }
0x1a7: {  	s3 =	rddreg [dreg:$0x2];
	[bflag:$0x3] =	sbarrier.arrive $0xFFFF;
	s2 =	simm.s32 @!p0 $0x1C02  }
0x1a8: {  	[timem:s3], [sflag:s2] =	dma.local @!p0 [hbm:s0], s1  }
0x1a9: {  	s0 =	simm.s32 @!p0 $0x2  }
0x1aa: {  	_ =	swait.ge @!p0 [sflag:s0], s1  }
0x1ab: {  	s1 =	ssub.s32 @!p0 $0x0, s1;
	[sflag:s0] =	ssyncset.done @!p0 $0x0  }
0x1ac: {  	[sflag:s0] =	ssyncadd.s32 @!p0 s1  }
0x1ad: {  	[bflag:$0x3] =	sbarrier.arrive $0xFFFF  }
0x1ae: {  	_ =	shalt  }

</sc_bundles>
